<compile_context>
chip_gen: v7x
topology: tpu7x:2x2x1
jax: 0.10.2.dev20260603
libtpu: 0.0.44.dev20260713+nightly
codegen_flags: <defaults>
</compile_context>

<pallas_src>
import functools

import jax
import jax.numpy as jnp
from jax import lax
from jax.experimental import pallas as pl
from jax.experimental.pallas import tpu as pltpu
from jax.experimental.pallas import tpu_sc as plsc

_VOCAB = 100000
_DIM = 64
_NC = 2
_NS = 16
_NW = _NC * _NS
_CH = 200
_C = _VOCAB // _CH
_FULL = _C // _NW
_EXTRA = _C - _FULL * _NW

_MESH = plsc.VectorSubcoreMesh(core_axis_name="c", subcore_axis_name="s")


@functools.partial(
    pl.kernel,
    out_type=jax.ShapeDtypeStruct((_VOCAB, _DIM), jnp.float32),
    mesh=_MESH,
    compiler_params=pltpu.CompilerParams(use_tc_tiling_on_sc=True),
    scratch_types=[
        pltpu.VMEM_SHARED((_NS, 2, _CH, _DIM), jnp.float32),
        pltpu.SemaphoreType.DMA,
        pltpu.SemaphoreType.DMA,
        pltpu.SemaphoreType.DMA,
        pltpu.SemaphoreType.DMA,
    ],
)
def _sc_copy(x_hbm, o_hbm, shared, ls_a, ls_b, ss_a, ss_b):
    s = lax.axis_index("s")
    w = s * _NC + lax.axis_index("c")
    lsem = (ls_a, ls_b)
    ssem = (ss_a, ss_b)

    def rows(j):
        return pl.ds(pl.multiple_of((w + _NW * j) * _CH, 8), _CH)

    def load(j):
        return pltpu.make_async_copy(
            x_hbm.at[rows(j), :], shared.at[s, j % 2], lsem[j % 2])

    def store(j):
        return pltpu.make_async_copy(
            shared.at[s, j % 2], o_hbm.at[rows(j), :], ssem[j % 2])

    load(0).start()
    for j in range(_FULL):
        load(j).wait()
        store(j).start()
        if j + 1 < _FULL:
            if j >= 1:
                store(j - 1).wait()
            load(j + 1).start()

    @pl.when(w < _EXTRA)
    def _():
        j = _FULL
        store(j - 2).wait()
        load(j).start()
        load(j).wait()
        store(j).start()
        store(j).wait()

    @pl.when(w >= _EXTRA)
    def _():
        store(_FULL - 2).wait()

    store(_FULL - 1).wait()


def kernel(embeddings):
    return _sc_copy(embeddings)

# --- scband reference (transcript-rebuilt; emitter-appended) ---
"""Pipeline reference for scband-simple-embedding-model-13297218749151 (READ-ONLY COPY).

The authoritative reference and input builder live on the scoring server;
editing this copy changes nothing except your own understanding.
"""

import jax, jax.numpy as jnp
import numpy as np

VOCAB = 100000
EMBED_DIM = 64

def setup_inputs(seed: int = 0) -> dict:
    key = jax.random.key(seed)
    embeddings = jax.random.normal(key, (VOCAB, EMBED_DIM), dtype=jnp.float32) * 0.01
    return {"embeddings": embeddings}

def reference(embeddings) -> jnp.ndarray:
    # Faithful translation: forward() simply returns the embedding parameter tensor.
    return embeddings

if __name__ == "__main__":
    import jax
    _d = setup_inputs()
    print(jax.jit(kernel)(*tuple(_d.values())))

</pallas_src>

<mosaic_0001>
#map = affine_map<(d0, d1) -> (0, 0)>
module attributes {stable_mosaic.version = 14 : i64} {
  func.func @_sc_copy(%arg0: i32, %arg1: i32, %arg2: memref<100000x64xf32, #tpu.memory_space<hbm>>, %arg3: memref<100000x64xf32, #tpu.memory_space<hbm>>, %arg4: memref<16x2x200x64xf32, #tpu.memory_space<vmem_shared>>, %arg5: memref<!tpu.dma_semaphore, #tpu.memory_space<semaphore_mem>>, %arg6: memref<!tpu.dma_semaphore, #tpu.memory_space<semaphore_mem>>, %arg7: memref<!tpu.dma_semaphore, #tpu.memory_space<semaphore_mem>>, %arg8: memref<!tpu.dma_semaphore, #tpu.memory_space<semaphore_mem>>) attributes {dimension_semantics = [#tpu.dimension_semantics<core_parallel>, #tpu.dimension_semantics<subcore_parallel>], iteration_bounds = array<i64: 2, 16>, scalar_prefetch = 0 : i64, scratch_operands = 5 : i64, tpu.core_type = #tpu.core_type<sc_vector_subcore>, window_params = [{transform_indices = #map}, {transform_indices = #map}]} {
    %mul3A = arith.constant 2 : i32
    %mul3A_0 = arith.muli %arg1, %mul3A : i32
    %add3A = arith.addi %mul3A_0, %arg0 : i32
    %add3A_1 = arith.constant 0 : i32
    %add3A_2 = arith.addi %add3A, %add3A_1 : i32
    %mul3A_3 = arith.constant 200 : i32
    %mul3A_4 = arith.muli %add3A_2, %mul3A_3 : i32
    %multiple_of3A = tpu.assume_multiple %mul3A_4, 8 : i32
    %dma_start3A = arith.constant 0 : i32
    %dma_start3A_5 = arith.constant 0 : i32
    %dma_start3A_6 = arith.constant 0 : i32
    %dma_start3A_7 = tpu.memref_slice %arg4[%arg1, %dma_start3A, %dma_start3A_5, %dma_start3A_6] : memref<16x2x200x64xf32, #tpu.memory_space<vmem_shared>> -> memref<1x1x200x64xf32, #tpu.memory_space<vmem_shared>>
    %dma_start3A_8 = tpu.memref_squeeze %dma_start3A_7 : memref<1x1x200x64xf32, #tpu.memory_space<vmem_shared>> -> memref<200x64xf32, #tpu.memory_space<vmem_shared>>
    %dma_start3A_9 = arith.constant 0 : i32
    %dma_start3A_10 = tpu.memref_slice %arg2[%multiple_of3A, %dma_start3A_9] : memref<100000x64xf32, #tpu.memory_space<hbm>> -> memref<200x64xf32, #tpu.memory_space<hbm>>
    tpu.enqueue_dma source(%dma_start3A_10 : memref<200x64xf32, #tpu.memory_space<hbm>>) target(%dma_start3A_8 : memref<200x64xf32, #tpu.memory_space<vmem_shared>>) target_semaphore(%arg5 : memref<!tpu.dma_semaphore, #tpu.memory_space<semaphore_mem>>)
    %add3A_11 = arith.constant 0 : i32
    %add3A_12 = arith.addi %add3A, %add3A_11 : i32
    %mul3A_13 = arith.constant 200 : i32
    %mul3A_14 = arith.muli %add3A_12, %mul3A_13 : i32
    %multiple_of3A_15 = tpu.assume_multiple %mul3A_14, 8 : i32
    %dma_wait3A = arith.constant 0 : i32
    %dma_wait3A_16 = arith.constant 0 : i32
    %dma_wait3A_17 = arith.constant 0 : i32
    %dma_wait3A_18 = tpu.memref_slice %arg4[%arg1, %dma_wait3A, %dma_wait3A_16, %dma_wait3A_17] : memref<16x2x200x64xf32, #tpu.memory_space<vmem_shared>> -> memref<1x1x200x64xf32, #tpu.memory_space<vmem_shared>>
    %dma_wait3A_19 = tpu.memref_squeeze %dma_wait3A_18 : memref<1x1x200x64xf32, #tpu.memory_space<vmem_shared>> -> memref<200x64xf32, #tpu.memory_space<vmem_shared>>
    %dma_wait3A_20 = arith.constant 0 : i32
    %dma_wait3A_21 = tpu.memref_slice %arg2[%multiple_of3A_15, %dma_wait3A_20] : memref<100000x64xf32, #tpu.memory_space<hbm>> -> memref<200x64xf32, #tpu.memory_space<hbm>>
    tpu.wait_dma2 semaphore(%arg5 : memref<!tpu.dma_semaphore, #tpu.memory_space<semaphore_mem>>) src(%dma_wait3A_21 : memref<200x64xf32, #tpu.memory_space<hbm>>) dst(%dma_wait3A_19 : memref<200x64xf32, #tpu.memory_space<vmem_shared>>)
    %add3A_22 = arith.constant 0 : i32
    %add3A_23 = arith.addi %add3A, %add3A_22 : i32
    %mul3A_24 = arith.constant 200 : i32
    %mul3A_25 = arith.muli %add3A_23, %mul3A_24 : i32
    %multiple_of3A_26 = tpu.assume_multiple %mul3A_25, 8 : i32
    %dma_start3A_27 = arith.constant 0 : i32
    %dma_start3A_28 = arith.constant 0 : i32
    %dma_start3A_29 = tpu.memref_slice %arg3[%multiple_of3A_26, %dma_start3A_28] : memref<100000x64xf32, #tpu.memory_space<hbm>> -> memref<200x64xf32, #tpu.memory_space<hbm>>
    %dma_start3A_30 = arith.constant 0 : i32
    %dma_start3A_31 = arith.constant 0 : i32
    %dma_start3A_32 = tpu.memref_slice %arg4[%arg1, %dma_start3A_27, %dma_start3A_30, %dma_start3A_31] : memref<16x2x200x64xf32, #tpu.memory_space<vmem_shared>> -> memref<1x1x200x64xf32, #tpu.memory_space<vmem_shared>>
    %dma_start3A_33 = tpu.memref_squeeze %dma_start3A_32 : memref<1x1x200x64xf32, #tpu.memory_space<vmem_shared>> -> memref<200x64xf32, #tpu.memory_space<vmem_shared>>
    tpu.enqueue_dma source(%dma_start3A_33 : memref<200x64xf32, #tpu.memory_space<vmem_shared>>) target(%dma_start3A_29 : memref<200x64xf32, #tpu.memory_space<hbm>>) target_semaphore(%arg7 : memref<!tpu.dma_semaphore, #tpu.memory_space<semaphore_mem>>)
    %add3A_34 = arith.constant 32 : i32
    %add3A_35 = arith.addi %add3A, %add3A_34 : i32
    %mul3A_36 = arith.constant 200 : i32
    %mul3A_37 = arith.muli %add3A_35, %mul3A_36 : i32
    %multiple_of3A_38 = tpu.assume_multiple %mul3A_37, 8 : i32
    %dma_start3A_39 = arith.constant 1 : i32
    %dma_start3A_40 = arith.constant 0 : i32
    %dma_start3A_41 = arith.constant 0 : i32
    %dma_start3A_42 = tpu.memref_slice %arg4[%arg1, %dma_start3A_39, %dma_start3A_40, %dma_start3A_41] : memref<16x2x200x64xf32, #tpu.memory_space<vmem_shared>> -> memref<1x1x200x64xf32, #tpu.memory_space<vmem_shared>>
    %dma_start3A_43 = tpu.memref_squeeze %dma_start3A_42 : memref<1x1x200x64xf32, #tpu.memory_space<vmem_shared>> -> memref<200x64xf32, #tpu.memory_space<vmem_shared>>
    %dma_start3A_44 = arith.constant 0 : i32
    %dma_start3A_45 = tpu.memref_slice %arg2[%multiple_of3A_38, %dma_start3A_44] : memref<100000x64xf32, #tpu.memory_space<hbm>> -> memref<200x64xf32, #tpu.memory_space<hbm>>
    tpu.enqueue_dma source(%dma_start3A_45 : memref<200x64xf32, #tpu.memory_space<hbm>>) target(%dma_start3A_43 : memref<200x64xf32, #tpu.memory_space<vmem_shared>>) target_semaphore(%arg6 : memref<!tpu.dma_semaphore, #tpu.memory_space<semaphore_mem>>)
    %add3A_46 = arith.constant 32 : i32
    %add3A_47 = arith.addi %add3A, %add3A_46 : i32
    %mul3A_48 = arith.constant 200 : i32
    %mul3A_49 = arith.muli %add3A_47, %mul3A_48 : i32
    %multiple_of3A_50 = tpu.assume_multiple %mul3A_49, 8 : i32
    %dma_wait3A_51 = arith.constant 1 : i32
    %dma_wait3A_52 = arith.constant 0 : i32
    %dma_wait3A_53 = arith.constant 0 : i32
    %dma_wait3A_54 = tpu.memref_slice %arg4[%arg1, %dma_wait3A_51, %dma_wait3A_52, %dma_wait3A_53] : memref<16x2x200x64xf32, #tpu.memory_space<vmem_shared>> -> memref<1x1x200x64xf32, #tpu.memory_space<vmem_shared>>
    %dma_wait3A_55 = tpu.memref_squeeze %dma_wait3A_54 : memref<1x1x200x64xf32, #tpu.memory_space<vmem_shared>> -> memref<200x64xf32, #tpu.memory_space<vmem_shared>>
    %dma_wait3A_56 = arith.constant 0 : i32
    %dma_wait3A_57 = tpu.memref_slice %arg2[%multiple_of3A_50, %dma_wait3A_56] : memref<100000x64xf32, #tpu.memory_space<hbm>> -> memref<200x64xf32, #tpu.memory_space<hbm>>
    tpu.wait_dma2 semaphore(%arg6 : memref<!tpu.dma_semaphore, #tpu.memory_space<semaphore_mem>>) src(%dma_wait3A_57 : memref<200x64xf32, #tpu.memory_space<hbm>>) dst(%dma_wait3A_55 : memref<200x64xf32, #tpu.memory_space<vmem_shared>>)
    %add3A_58 = arith.constant 32 : i32
    %add3A_59 = arith.addi %add3A, %add3A_58 : i32
    %mul3A_60 = arith.constant 200 : i32
    %mul3A_61 = arith.muli %add3A_59, %mul3A_60 : i32
    %multiple_of3A_62 = tpu.assume_multiple %mul3A_61, 8 : i32
    %dma_start3A_63 = arith.constant 1 : i32
    %dma_start3A_64 = arith.constant 0 : i32
    %dma_start3A_65 = tpu.memref_slice %arg3[%multiple_of3A_62, %dma_start3A_64] : memref<100000x64xf32, #tpu.memory_space<hbm>> -> memref<200x64xf32, #tpu.memory_space<hbm>>
    %dma_start3A_66 = arith.constant 0 : i32
    %dma_start3A_67 = arith.constant 0 : i32
    %dma_start3A_68 = tpu.memref_slice %arg4[%arg1, %dma_start3A_63, %dma_start3A_66, %dma_start3A_67] : memref<16x2x200x64xf32, #tpu.memory_space<vmem_shared>> -> memref<1x1x200x64xf32, #tpu.memory_space<vmem_shared>>
    %dma_start3A_69 = tpu.memref_squeeze %dma_start3A_68 : memref<1x1x200x64xf32, #tpu.memory_space<vmem_shared>> -> memref<200x64xf32, #tpu.memory_space<vmem_shared>>
    tpu.enqueue_dma source(%dma_start3A_69 : memref<200x64xf32, #tpu.memory_space<vmem_shared>>) target(%dma_start3A_65 : memref<200x64xf32, #tpu.memory_space<hbm>>) target_semaphore(%arg8 : memref<!tpu.dma_semaphore, #tpu.memory_space<semaphore_mem>>)
    %add3A_70 = arith.constant 0 : i32
    %add3A_71 = arith.addi %add3A, %add3A_70 : i32
    %mul3A_72 = arith.constant 200 : i32
    %mul3A_73 = arith.muli %add3A_71, %mul3A_72 : i32
    %multiple_of3A_74 = tpu.assume_multiple %mul3A_73, 8 : i32
    %dma_wait3A_75 = arith.constant 0 : i32
    %dma_wait3A_76 = arith.constant 0 : i32
    %dma_wait3A_77 = tpu.memref_slice %arg3[%multiple_of3A_74, %dma_wait3A_76] : memref<100000x64xf32, #tpu.memory_space<hbm>> -> memref<200x64xf32, #tpu.memory_space<hbm>>
    %dma_wait3A_78 = arith.constant 0 : i32
    %dma_wait3A_79 = arith.constant 0 : i32
    %dma_wait3A_80 = tpu.memref_slice %arg4[%arg1, %dma_wait3A_75, %dma_wait3A_78, %dma_wait3A_79] : memref<16x2x200x64xf32, #tpu.memory_space<vmem_shared>> -> memref<1x1x200x64xf32, #tpu.memory_space<vmem_shared>>
    %dma_wait3A_81 = tpu.memref_squeeze %dma_wait3A_80 : memref<1x1x200x64xf32, #tpu.memory_space<vmem_shared>> -> memref<200x64xf32, #tpu.memory_space<vmem_shared>>
    tpu.wait_dma2 semaphore(%arg7 : memref<!tpu.dma_semaphore, #tpu.memory_space<semaphore_mem>>) src(%dma_wait3A_81 : memref<200x64xf32, #tpu.memory_space<vmem_shared>>) dst(%dma_wait3A_77 : memref<200x64xf32, #tpu.memory_space<hbm>>)
    %add3A_82 = arith.constant 64 : i32
    %add3A_83 = arith.addi %add3A, %add3A_82 : i32
    %mul3A_84 = arith.constant 200 : i32
    %mul3A_85 = arith.muli %add3A_83, %mul3A_84 : i32
    %multiple_of3A_86 = tpu.assume_multiple %mul3A_85, 8 : i32
    %dma_start3A_87 = arith.constant 0 : i32
    %dma_start3A_88 = arith.constant 0 : i32
    %dma_start3A_89 = arith.constant 0 : i32
    %dma_start3A_90 = tpu.memref_slice %arg4[%arg1, %dma_start3A_87, %dma_start3A_88, %dma_start3A_89] : memref<16x2x200x64xf32, #tpu.memory_space<vmem_shared>> -> memref<1x1x200x64xf32, #tpu.memory_space<vmem_shared>>
    %dma_start3A_91 = tpu.memref_squeeze %dma_start3A_90 : memref<1x1x200x64xf32, #tpu.memory_space<vmem_shared>> -> memref<200x64xf32, #tpu.memory_space<vmem_shared>>
    %dma_start3A_92 = arith.constant 0 : i32
    %dma_start3A_93 = tpu.memref_slice %arg2[%multiple_of3A_86, %dma_start3A_92] : memref<100000x64xf32, #tpu.memory_space<hbm>> -> memref<200x64xf32, #tpu.memory_space<hbm>>
    tpu.enqueue_dma source(%dma_start3A_93 : memref<200x64xf32, #tpu.memory_space<hbm>>) target(%dma_start3A_91 : memref<200x64xf32, #tpu.memory_space<vmem_shared>>) target_semaphore(%arg5 : memref<!tpu.dma_semaphore, #tpu.memory_space<semaphore_mem>>)
    %add3A_94 = arith.constant 64 : i32
    %add3A_95 = arith.addi %add3A, %add3A_94 : i32
    %mul3A_96 = arith.constant 200 : i32
    %mul3A_97 = arith.muli %add3A_95, %mul3A_96 : i32
    %multiple_of3A_98 = tpu.assume_multiple %mul3A_97, 8 : i32
    %dma_wait3A_99 = arith.constant 0 : i32
    %dma_wait3A_100 = arith.constant 0 : i32
    %dma_wait3A_101 = arith.constant 0 : i32
    %dma_wait3A_102 = tpu.memref_slice %arg4[%arg1, %dma_wait3A_99, %dma_wait3A_100, %dma_wait3A_101] : memref<16x2x200x64xf32, #tpu.memory_space<vmem_shared>> -> memref<1x1x200x64xf32, #tpu.memory_space<vmem_shared>>
    %dma_wait3A_103 = tpu.memref_squeeze %dma_wait3A_102 : memref<1x1x200x64xf32, #tpu.memory_space<vmem_shared>> -> memref<200x64xf32, #tpu.memory_space<vmem_shared>>
    %dma_wait3A_104 = arith.constant 0 : i32
    %dma_wait3A_105 = tpu.memref_slice %arg2[%multiple_of3A_98, %dma_wait3A_104] : memref<100000x64xf32, #tpu.memory_space<hbm>> -> memref<200x64xf32, #tpu.memory_space<hbm>>
    tpu.wait_dma2 semaphore(%arg5 : memref<!tpu.dma_semaphore, #tpu.memory_space<semaphore_mem>>) src(%dma_wait3A_105 : memref<200x64xf32, #tpu.memory_space<hbm>>) dst(%dma_wait3A_103 : memref<200x64xf32, #tpu.memory_space<vmem_shared>>)
    %add3A_106 = arith.constant 64 : i32
    %add3A_107 = arith.addi %add3A, %add3A_106 : i32
    %mul3A_108 = arith.constant 200 : i32
    %mul3A_109 = arith.muli %add3A_107, %mul3A_108 : i32
    %multiple_of3A_110 = tpu.assume_multiple %mul3A_109, 8 : i32
    %dma_start3A_111 = arith.constant 0 : i32
    %dma_start3A_112 = arith.constant 0 : i32
    %dma_start3A_113 = tpu.memref_slice %arg3[%multiple_of3A_110, %dma_start3A_112] : memref<100000x64xf32, #tpu.memory_space<hbm>> -> memref<200x64xf32, #tpu.memory_space<hbm>>
    %dma_start3A_114 = arith.constant 0 : i32
    %dma_start3A_115 = arith.constant 0 : i32
    %dma_start3A_116 = tpu.memref_slice %arg4[%arg1, %dma_start3A_111, %dma_start3A_114, %dma_start3A_115] : memref<16x2x200x64xf32, #tpu.memory_space<vmem_shared>> -> memref<1x1x200x64xf32, #tpu.memory_space<vmem_shared>>
    %dma_start3A_117 = tpu.memref_squeeze %dma_start3A_116 : memref<1x1x200x64xf32, #tpu.memory_space<vmem_shared>> -> memref<200x64xf32, #tpu.memory_space<vmem_shared>>
    tpu.enqueue_dma source(%dma_start3A_117 : memref<200x64xf32, #tpu.memory_space<vmem_shared>>) target(%dma_start3A_113 : memref<200x64xf32, #tpu.memory_space<hbm>>) target_semaphore(%arg7 : memref<!tpu.dma_semaphore, #tpu.memory_space<semaphore_mem>>)
    %add3A_118 = arith.constant 32 : i32
    %add3A_119 = arith.addi %add3A, %add3A_118 : i32
    %mul3A_120 = arith.constant 200 : i32
    %mul3A_121 = arith.muli %add3A_119, %mul3A_120 : i32
    %multiple_of3A_122 = tpu.assume_multiple %mul3A_121, 8 : i32
    %dma_wait3A_123 = arith.constant 1 : i32
    %dma_wait3A_124 = arith.constant 0 : i32
    %dma_wait3A_125 = tpu.memref_slice %arg3[%multiple_of3A_122, %dma_wait3A_124] : memref<100000x64xf32, #tpu.memory_space<hbm>> -> memref<200x64xf32, #tpu.memory_space<hbm>>
    %dma_wait3A_126 = arith.constant 0 : i32
    %dma_wait3A_127 = arith.constant 0 : i32
    %dma_wait3A_128 = tpu.memref_slice %arg4[%arg1, %dma_wait3A_123, %dma_wait3A_126, %dma_wait3A_127] : memref<16x2x200x64xf32, #tpu.memory_space<vmem_shared>> -> memref<1x1x200x64xf32, #tpu.memory_space<vmem_shared>>
    %dma_wait3A_129 = tpu.memref_squeeze %dma_wait3A_128 : memref<1x1x200x64xf32, #tpu.memory_space<vmem_shared>> -> memref<200x64xf32, #tpu.memory_space<vmem_shared>>
    tpu.wait_dma2 semaphore(%arg8 : memref<!tpu.dma_semaphore, #tpu.memory_space<semaphore_mem>>) src(%dma_wait3A_129 : memref<200x64xf32, #tpu.memory_space<vmem_shared>>) dst(%dma_wait3A_125 : memref<200x64xf32, #tpu.memory_space<hbm>>)
    %add3A_130 = arith.constant 96 : i32
    %add3A_131 = arith.addi %add3A, %add3A_130 : i32
    %mul3A_132 = arith.constant 200 : i32
    %mul3A_133 = arith.muli %add3A_131, %mul3A_132 : i32
    %multiple_of3A_134 = tpu.assume_multiple %mul3A_133, 8 : i32
    %dma_start3A_135 = arith.constant 1 : i32
    %dma_start3A_136 = arith.constant 0 : i32
    %dma_start3A_137 = arith.constant 0 : i32
    %dma_start3A_138 = tpu.memref_slice %arg4[%arg1, %dma_start3A_135, %dma_start3A_136, %dma_start3A_137] : memref<16x2x200x64xf32, #tpu.memory_space<vmem_shared>> -> memref<1x1x200x64xf32, #tpu.memory_space<vmem_shared>>
    %dma_start3A_139 = tpu.memref_squeeze %dma_start3A_138 : memref<1x1x200x64xf32, #tpu.memory_space<vmem_shared>> -> memref<200x64xf32, #tpu.memory_space<vmem_shared>>
    %dma_start3A_140 = arith.constant 0 : i32
    %dma_start3A_141 = tpu.memref_slice %arg2[%multiple_of3A_134, %dma_start3A_140] : memref<100000x64xf32, #tpu.memory_space<hbm>> -> memref<200x64xf32, #tpu.memory_space<hbm>>
    tpu.enqueue_dma source(%dma_start3A_141 : memref<200x64xf32, #tpu.memory_space<hbm>>) target(%dma_start3A_139 : memref<200x64xf32, #tpu.memory_space<vmem_shared>>) target_semaphore(%arg6 : memref<!tpu.dma_semaphore, #tpu.memory_space<semaphore_mem>>)
    %add3A_142 = arith.constant 96 : i32
    %add3A_143 = arith.addi %add3A, %add3A_142 : i32
    %mul3A_144 = arith.constant 200 : i32
    %mul3A_145 = arith.muli %add3A_143, %mul3A_144 : i32
    %multiple_of3A_146 = tpu.assume_multiple %mul3A_145, 8 : i32
    %dma_wait3A_147 = arith.constant 1 : i32
    %dma_wait3A_148 = arith.constant 0 : i32
    %dma_wait3A_149 = arith.constant 0 : i32
    %dma_wait3A_150 = tpu.memref_slice %arg4[%arg1, %dma_wait3A_147, %dma_wait3A_148, %dma_wait3A_149] : memref<16x2x200x64xf32, #tpu.memory_space<vmem_shared>> -> memref<1x1x200x64xf32, #tpu.memory_space<vmem_shared>>
    %dma_wait3A_151 = tpu.memref_squeeze %dma_wait3A_150 : memref<1x1x200x64xf32, #tpu.memory_space<vmem_shared>> -> memref<200x64xf32, #tpu.memory_space<vmem_shared>>
    %dma_wait3A_152 = arith.constant 0 : i32
    %dma_wait3A_153 = tpu.memref_slice %arg2[%multiple_of3A_146, %dma_wait3A_152] : memref<100000x64xf32, #tpu.memory_space<hbm>> -> memref<200x64xf32, #tpu.memory_space<hbm>>
    tpu.wait_dma2 semaphore(%arg6 : memref<!tpu.dma_semaphore, #tpu.memory_space<semaphore_mem>>) src(%dma_wait3A_153 : memref<200x64xf32, #tpu.memory_space<hbm>>) dst(%dma_wait3A_151 : memref<200x64xf32, #tpu.memory_space<vmem_shared>>)
    %add3A_154 = arith.constant 96 : i32
    %add3A_155 = arith.addi %add3A, %add3A_154 : i32
    %mul3A_156 = arith.constant 200 : i32
    %mul3A_157 = arith.muli %add3A_155, %mul3A_156 : i32
    %multiple_of3A_158 = tpu.assume_multiple %mul3A_157, 8 : i32
    %dma_start3A_159 = arith.constant 1 : i32
    %dma_start3A_160 = arith.constant 0 : i32
    %dma_start3A_161 = tpu.memref_slice %arg3[%multiple_of3A_158, %dma_start3A_160] : memref<100000x64xf32, #tpu.memory_space<hbm>> -> memref<200x64xf32, #tpu.memory_space<hbm>>
    %dma_start3A_162 = arith.constant 0 : i32
    %dma_start3A_163 = arith.constant 0 : i32
    %dma_start3A_164 = tpu.memref_slice %arg4[%arg1, %dma_start3A_159, %dma_start3A_162, %dma_start3A_163] : memref<16x2x200x64xf32, #tpu.memory_space<vmem_shared>> -> memref<1x1x200x64xf32, #tpu.memory_space<vmem_shared>>
    %dma_start3A_165 = tpu.memref_squeeze %dma_start3A_164 : memref<1x1x200x64xf32, #tpu.memory_space<vmem_shared>> -> memref<200x64xf32, #tpu.memory_space<vmem_shared>>
    tpu.enqueue_dma source(%dma_start3A_165 : memref<200x64xf32, #tpu.memory_space<vmem_shared>>) target(%dma_start3A_161 : memref<200x64xf32, #tpu.memory_space<hbm>>) target_semaphore(%arg8 : memref<!tpu.dma_semaphore, #tpu.memory_space<semaphore_mem>>)
    %add3A_166 = arith.constant 64 : i32
    %add3A_167 = arith.addi %add3A, %add3A_166 : i32
    %mul3A_168 = arith.constant 200 : i32
    %mul3A_169 = arith.muli %add3A_167, %mul3A_168 : i32
    %multiple_of3A_170 = tpu.assume_multiple %mul3A_169, 8 : i32
    %dma_wait3A_171 = arith.constant 0 : i32
    %dma_wait3A_172 = arith.constant 0 : i32
    %dma_wait3A_173 = tpu.memref_slice %arg3[%multiple_of3A_170, %dma_wait3A_172] : memref<100000x64xf32, #tpu.memory_space<hbm>> -> memref<200x64xf32, #tpu.memory_space<hbm>>
    %dma_wait3A_174 = arith.constant 0 : i32
    %dma_wait3A_175 = arith.constant 0 : i32
    %dma_wait3A_176 = tpu.memref_slice %arg4[%arg1, %dma_wait3A_171, %dma_wait3A_174, %dma_wait3A_175] : memref<16x2x200x64xf32, #tpu.memory_space<vmem_shared>> -> memref<1x1x200x64xf32, #tpu.memory_space<vmem_shared>>
    %dma_wait3A_177 = tpu.memref_squeeze %dma_wait3A_176 : memref<1x1x200x64xf32, #tpu.memory_space<vmem_shared>> -> memref<200x64xf32, #tpu.memory_space<vmem_shared>>
    tpu.wait_dma2 semaphore(%arg7 : memref<!tpu.dma_semaphore, #tpu.memory_space<semaphore_mem>>) src(%dma_wait3A_177 : memref<200x64xf32, #tpu.memory_space<vmem_shared>>) dst(%dma_wait3A_173 : memref<200x64xf32, #tpu.memory_space<hbm>>)
    %add3A_178 = arith.constant 128 : i32
    %add3A_179 = arith.addi %add3A, %add3A_178 : i32
    %mul3A_180 = arith.constant 200 : i32
    %mul3A_181 = arith.muli %add3A_179, %mul3A_180 : i32
    %multiple_of3A_182 = tpu.assume_multiple %mul3A_181, 8 : i32
    %dma_start3A_183 = arith.constant 0 : i32
    %dma_start3A_184 = arith.constant 0 : i32
    %dma_start3A_185 = arith.constant 0 : i32
    %dma_start3A_186 = tpu.memref_slice %arg4[%arg1, %dma_start3A_183, %dma_start3A_184, %dma_start3A_185] : memref<16x2x200x64xf32, #tpu.memory_space<vmem_shared>> -> memref<1x1x200x64xf32, #tpu.memory_space<vmem_shared>>
    %dma_start3A_187 = tpu.memref_squeeze %dma_start3A_186 : memref<1x1x200x64xf32, #tpu.memory_space<vmem_shared>> -> memref<200x64xf32, #tpu.memory_space<vmem_shared>>
    %dma_start3A_188 = arith.constant 0 : i32
    %dma_start3A_189 = tpu.memref_slice %arg2[%multiple_of3A_182, %dma_start3A_188] : memref<100000x64xf32, #tpu.memory_space<hbm>> -> memref<200x64xf32, #tpu.memory_space<hbm>>
    tpu.enqueue_dma source(%dma_start3A_189 : memref<200x64xf32, #tpu.memory_space<hbm>>) target(%dma_start3A_187 : memref<200x64xf32, #tpu.memory_space<vmem_shared>>) target_semaphore(%arg5 : memref<!tpu.dma_semaphore, #tpu.memory_space<semaphore_mem>>)
    %add3A_190 = arith.constant 128 : i32
    %add3A_191 = arith.addi %add3A, %add3A_190 : i32
    %mul3A_192 = arith.constant 200 : i32
    %mul3A_193 = arith.muli %add3A_191, %mul3A_192 : i32
    %multiple_of3A_194 = tpu.assume_multiple %mul3A_193, 8 : i32
    %dma_wait3A_195 = arith.constant 0 : i32
    %dma_wait3A_196 = arith.constant 0 : i32
    %dma_wait3A_197 = arith.constant 0 : i32
    %dma_wait3A_198 = tpu.memref_slice %arg4[%arg1, %dma_wait3A_195, %dma_wait3A_196, %dma_wait3A_197] : memref<16x2x200x64xf32, #tpu.memory_space<vmem_shared>> -> memref<1x1x200x64xf32, #tpu.memory_space<vmem_shared>>
    %dma_wait3A_199 = tpu.memref_squeeze %dma_wait3A_198 : memref<1x1x200x64xf32, #tpu.memory_space<vmem_shared>> -> memref<200x64xf32, #tpu.memory_space<vmem_shared>>
    %dma_wait3A_200 = arith.constant 0 : i32
    %dma_wait3A_201 = tpu.memref_slice %arg2[%multiple_of3A_194, %dma_wait3A_200] : memref<100000x64xf32, #tpu.memory_space<hbm>> -> memref<200x64xf32, #tpu.memory_space<hbm>>
    tpu.wait_dma2 semaphore(%arg5 : memref<!tpu.dma_semaphore, #tpu.memory_space<semaphore_mem>>) src(%dma_wait3A_201 : memref<200x64xf32, #tpu.memory_space<hbm>>) dst(%dma_wait3A_199 : memref<200x64xf32, #tpu.memory_space<vmem_shared>>)
    %add3A_202 = arith.constant 128 : i32
    %add3A_203 = arith.addi %add3A, %add3A_202 : i32
    %mul3A_204 = arith.constant 200 : i32
    %mul3A_205 = arith.muli %add3A_203, %mul3A_204 : i32
    %multiple_of3A_206 = tpu.assume_multiple %mul3A_205, 8 : i32
    %dma_start3A_207 = arith.constant 0 : i32
    %dma_start3A_208 = arith.constant 0 : i32
    %dma_start3A_209 = tpu.memref_slice %arg3[%multiple_of3A_206, %dma_start3A_208] : memref<100000x64xf32, #tpu.memory_space<hbm>> -> memref<200x64xf32, #tpu.memory_space<hbm>>
    %dma_start3A_210 = arith.constant 0 : i32
    %dma_start3A_211 = arith.constant 0 : i32
    %dma_start3A_212 = tpu.memref_slice %arg4[%arg1, %dma_start3A_207, %dma_start3A_210, %dma_start3A_211] : memref<16x2x200x64xf32, #tpu.memory_space<vmem_shared>> -> memref<1x1x200x64xf32, #tpu.memory_space<vmem_shared>>
    %dma_start3A_213 = tpu.memref_squeeze %dma_start3A_212 : memref<1x1x200x64xf32, #tpu.memory_space<vmem_shared>> -> memref<200x64xf32, #tpu.memory_space<vmem_shared>>
    tpu.enqueue_dma source(%dma_start3A_213 : memref<200x64xf32, #tpu.memory_space<vmem_shared>>) target(%dma_start3A_209 : memref<200x64xf32, #tpu.memory_space<hbm>>) target_semaphore(%arg7 : memref<!tpu.dma_semaphore, #tpu.memory_space<semaphore_mem>>)
    %add3A_214 = arith.constant 96 : i32
    %add3A_215 = arith.addi %add3A, %add3A_214 : i32
    %mul3A_216 = arith.constant 200 : i32
    %mul3A_217 = arith.muli %add3A_215, %mul3A_216 : i32
    %multiple_of3A_218 = tpu.assume_multiple %mul3A_217, 8 : i32
    %dma_wait3A_219 = arith.constant 1 : i32
    %dma_wait3A_220 = arith.constant 0 : i32
    %dma_wait3A_221 = tpu.memref_slice %arg3[%multiple_of3A_218, %dma_wait3A_220] : memref<100000x64xf32, #tpu.memory_space<hbm>> -> memref<200x64xf32, #tpu.memory_space<hbm>>
    %dma_wait3A_222 = arith.constant 0 : i32
    %dma_wait3A_223 = arith.constant 0 : i32
    %dma_wait3A_224 = tpu.memref_slice %arg4[%arg1, %dma_wait3A_219, %dma_wait3A_222, %dma_wait3A_223] : memref<16x2x200x64xf32, #tpu.memory_space<vmem_shared>> -> memref<1x1x200x64xf32, #tpu.memory_space<vmem_shared>>
    %dma_wait3A_225 = tpu.memref_squeeze %dma_wait3A_224 : memref<1x1x200x64xf32, #tpu.memory_space<vmem_shared>> -> memref<200x64xf32, #tpu.memory_space<vmem_shared>>
    tpu.wait_dma2 semaphore(%arg8 : memref<!tpu.dma_semaphore, #tpu.memory_space<semaphore_mem>>) src(%dma_wait3A_225 : memref<200x64xf32, #tpu.memory_space<vmem_shared>>) dst(%dma_wait3A_221 : memref<200x64xf32, #tpu.memory_space<hbm>>)
    %add3A_226 = arith.constant 160 : i32
    %add3A_227 = arith.addi %add3A, %add3A_226 : i32
    %mul3A_228 = arith.constant 200 : i32
    %mul3A_229 = arith.muli %add3A_227, %mul3A_228 : i32
    %multiple_of3A_230 = tpu.assume_multiple %mul3A_229, 8 : i32
    %dma_start3A_231 = arith.constant 1 : i32
    %dma_start3A_232 = arith.constant 0 : i32
    %dma_start3A_233 = arith.constant 0 : i32
    %dma_start3A_234 = tpu.memref_slice %arg4[%arg1, %dma_start3A_231, %dma_start3A_232, %dma_start3A_233] : memref<16x2x200x64xf32, #tpu.memory_space<vmem_shared>> -> memref<1x1x200x64xf32, #tpu.memory_space<vmem_shared>>
    %dma_start3A_235 = tpu.memref_squeeze %dma_start3A_234 : memref<1x1x200x64xf32, #tpu.memory_space<vmem_shared>> -> memref<200x64xf32, #tpu.memory_space<vmem_shared>>
    %dma_start3A_236 = arith.constant 0 : i32
    %dma_start3A_237 = tpu.memref_slice %arg2[%multiple_of3A_230, %dma_start3A_236] : memref<100000x64xf32, #tpu.memory_space<hbm>> -> memref<200x64xf32, #tpu.memory_space<hbm>>
    tpu.enqueue_dma source(%dma_start3A_237 : memref<200x64xf32, #tpu.memory_space<hbm>>) target(%dma_start3A_235 : memref<200x64xf32, #tpu.memory_space<vmem_shared>>) target_semaphore(%arg6 : memref<!tpu.dma_semaphore, #tpu.memory_space<semaphore_mem>>)
    %add3A_238 = arith.constant 160 : i32
    %add3A_239 = arith.addi %add3A, %add3A_238 : i32
    %mul3A_240 = arith.constant 200 : i32
    %mul3A_241 = arith.muli %add3A_239, %mul3A_240 : i32
    %multiple_of3A_242 = tpu.assume_multiple %mul3A_241, 8 : i32
    %dma_wait3A_243 = arith.constant 1 : i32
    %dma_wait3A_244 = arith.constant 0 : i32
    %dma_wait3A_245 = arith.constant 0 : i32
    %dma_wait3A_246 = tpu.memref_slice %arg4[%arg1, %dma_wait3A_243, %dma_wait3A_244, %dma_wait3A_245] : memref<16x2x200x64xf32, #tpu.memory_space<vmem_shared>> -> memref<1x1x200x64xf32, #tpu.memory_space<vmem_shared>>
    %dma_wait3A_247 = tpu.memref_squeeze %dma_wait3A_246 : memref<1x1x200x64xf32, #tpu.memory_space<vmem_shared>> -> memref<200x64xf32, #tpu.memory_space<vmem_shared>>
    %dma_wait3A_248 = arith.constant 0 : i32
    %dma_wait3A_249 = tpu.memref_slice %arg2[%multiple_of3A_242, %dma_wait3A_248] : memref<100000x64xf32, #tpu.memory_space<hbm>> -> memref<200x64xf32, #tpu.memory_space<hbm>>
    tpu.wait_dma2 semaphore(%arg6 : memref<!tpu.dma_semaphore, #tpu.memory_space<semaphore_mem>>) src(%dma_wait3A_249 : memref<200x64xf32, #tpu.memory_space<hbm>>) dst(%dma_wait3A_247 : memref<200x64xf32, #tpu.memory_space<vmem_shared>>)
    %add3A_250 = arith.constant 160 : i32
    %add3A_251 = arith.addi %add3A, %add3A_250 : i32
    %mul3A_252 = arith.constant 200 : i32
    %mul3A_253 = arith.muli %add3A_251, %mul3A_252 : i32
    %multiple_of3A_254 = tpu.assume_multiple %mul3A_253, 8 : i32
    %dma_start3A_255 = arith.constant 1 : i32
    %dma_start3A_256 = arith.constant 0 : i32
    %dma_start3A_257 = tpu.memref_slice %arg3[%multiple_of3A_254, %dma_start3A_256] : memref<100000x64xf32, #tpu.memory_space<hbm>> -> memref<200x64xf32, #tpu.memory_space<hbm>>
    %dma_start3A_258 = arith.constant 0 : i32
    %dma_start3A_259 = arith.constant 0 : i32
    %dma_start3A_260 = tpu.memref_slice %arg4[%arg1, %dma_start3A_255, %dma_start3A_258, %dma_start3A_259] : memref<16x2x200x64xf32, #tpu.memory_space<vmem_shared>> -> memref<1x1x200x64xf32, #tpu.memory_space<vmem_shared>>
    %dma_start3A_261 = tpu.memref_squeeze %dma_start3A_260 : memref<1x1x200x64xf32, #tpu.memory_space<vmem_shared>> -> memref<200x64xf32, #tpu.memory_space<vmem_shared>>
    tpu.enqueue_dma source(%dma_start3A_261 : memref<200x64xf32, #tpu.memory_space<vmem_shared>>) target(%dma_start3A_257 : memref<200x64xf32, #tpu.memory_space<hbm>>) target_semaphore(%arg8 : memref<!tpu.dma_semaphore, #tpu.memory_space<semaphore_mem>>)
    %add3A_262 = arith.constant 128 : i32
    %add3A_263 = arith.addi %add3A, %add3A_262 : i32
    %mul3A_264 = arith.constant 200 : i32
    %mul3A_265 = arith.muli %add3A_263, %mul3A_264 : i32
    %multiple_of3A_266 = tpu.assume_multiple %mul3A_265, 8 : i32
    %dma_wait3A_267 = arith.constant 0 : i32
    %dma_wait3A_268 = arith.constant 0 : i32
    %dma_wait3A_269 = tpu.memref_slice %arg3[%multiple_of3A_266, %dma_wait3A_268] : memref<100000x64xf32, #tpu.memory_space<hbm>> -> memref<200x64xf32, #tpu.memory_space<hbm>>
    %dma_wait3A_270 = arith.constant 0 : i32
    %dma_wait3A_271 = arith.constant 0 : i32
    %dma_wait3A_272 = tpu.memref_slice %arg4[%arg1, %dma_wait3A_267, %dma_wait3A_270, %dma_wait3A_271] : memref<16x2x200x64xf32, #tpu.memory_space<vmem_shared>> -> memref<1x1x200x64xf32, #tpu.memory_space<vmem_shared>>
    %dma_wait3A_273 = tpu.memref_squeeze %dma_wait3A_272 : memref<1x1x200x64xf32, #tpu.memory_space<vmem_shared>> -> memref<200x64xf32, #tpu.memory_space<vmem_shared>>
    tpu.wait_dma2 semaphore(%arg7 : memref<!tpu.dma_semaphore, #tpu.memory_space<semaphore_mem>>) src(%dma_wait3A_273 : memref<200x64xf32, #tpu.memory_space<vmem_shared>>) dst(%dma_wait3A_269 : memref<200x64xf32, #tpu.memory_space<hbm>>)
    %add3A_274 = arith.constant 192 : i32
    %add3A_275 = arith.addi %add3A, %add3A_274 : i32
    %mul3A_276 = arith.constant 200 : i32
    %mul3A_277 = arith.muli %add3A_275, %mul3A_276 : i32
    %multiple_of3A_278 = tpu.assume_multiple %mul3A_277, 8 : i32
    %dma_start3A_279 = arith.constant 0 : i32
    %dma_start3A_280 = arith.constant 0 : i32
    %dma_start3A_281 = arith.constant 0 : i32
    %dma_start3A_282 = tpu.memref_slice %arg4[%arg1, %dma_start3A_279, %dma_start3A_280, %dma_start3A_281] : memref<16x2x200x64xf32, #tpu.memory_space<vmem_shared>> -> memref<1x1x200x64xf32, #tpu.memory_space<vmem_shared>>
    %dma_start3A_283 = tpu.memref_squeeze %dma_start3A_282 : memref<1x1x200x64xf32, #tpu.memory_space<vmem_shared>> -> memref<200x64xf32, #tpu.memory_space<vmem_shared>>
    %dma_start3A_284 = arith.constant 0 : i32
    %dma_start3A_285 = tpu.memref_slice %arg2[%multiple_of3A_278, %dma_start3A_284] : memref<100000x64xf32, #tpu.memory_space<hbm>> -> memref<200x64xf32, #tpu.memory_space<hbm>>
    tpu.enqueue_dma source(%dma_start3A_285 : memref<200x64xf32, #tpu.memory_space<hbm>>) target(%dma_start3A_283 : memref<200x64xf32, #tpu.memory_space<vmem_shared>>) target_semaphore(%arg5 : memref<!tpu.dma_semaphore, #tpu.memory_space<semaphore_mem>>)
    %add3A_286 = arith.constant 192 : i32
    %add3A_287 = arith.addi %add3A, %add3A_286 : i32
    %mul3A_288 = arith.constant 200 : i32
    %mul3A_289 = arith.muli %add3A_287, %mul3A_288 : i32
    %multiple_of3A_290 = tpu.assume_multiple %mul3A_289, 8 : i32
    %dma_wait3A_291 = arith.constant 0 : i32
    %dma_wait3A_292 = arith.constant 0 : i32
    %dma_wait3A_293 = arith.constant 0 : i32
    %dma_wait3A_294 = tpu.memref_slice %arg4[%arg1, %dma_wait3A_291, %dma_wait3A_292, %dma_wait3A_293] : memref<16x2x200x64xf32, #tpu.memory_space<vmem_shared>> -> memref<1x1x200x64xf32, #tpu.memory_space<vmem_shared>>
    %dma_wait3A_295 = tpu.memref_squeeze %dma_wait3A_294 : memref<1x1x200x64xf32, #tpu.memory_space<vmem_shared>> -> memref<200x64xf32, #tpu.memory_space<vmem_shared>>
    %dma_wait3A_296 = arith.constant 0 : i32
    %dma_wait3A_297 = tpu.memref_slice %arg2[%multiple_of3A_290, %dma_wait3A_296] : memref<100000x64xf32, #tpu.memory_space<hbm>> -> memref<200x64xf32, #tpu.memory_space<hbm>>
    tpu.wait_dma2 semaphore(%arg5 : memref<!tpu.dma_semaphore, #tpu.memory_space<semaphore_mem>>) src(%dma_wait3A_297 : memref<200x64xf32, #tpu.memory_space<hbm>>) dst(%dma_wait3A_295 : memref<200x64xf32, #tpu.memory_space<vmem_shared>>)
    %add3A_298 = arith.constant 192 : i32
    %add3A_299 = arith.addi %add3A, %add3A_298 : i32
    %mul3A_300 = arith.constant 200 : i32
    %mul3A_301 = arith.muli %add3A_299, %mul3A_300 : i32
    %multiple_of3A_302 = tpu.assume_multiple %mul3A_301, 8 : i32
    %dma_start3A_303 = arith.constant 0 : i32
    %dma_start3A_304 = arith.constant 0 : i32
    %dma_start3A_305 = tpu.memref_slice %arg3[%multiple_of3A_302, %dma_start3A_304] : memref<100000x64xf32, #tpu.memory_space<hbm>> -> memref<200x64xf32, #tpu.memory_space<hbm>>
    %dma_start3A_306 = arith.constant 0 : i32
    %dma_start3A_307 = arith.constant 0 : i32
    %dma_start3A_308 = tpu.memref_slice %arg4[%arg1, %dma_start3A_303, %dma_start3A_306, %dma_start3A_307] : memref<16x2x200x64xf32, #tpu.memory_space<vmem_shared>> -> memref<1x1x200x64xf32, #tpu.memory_space<vmem_shared>>
    %dma_start3A_309 = tpu.memref_squeeze %dma_start3A_308 : memref<1x1x200x64xf32, #tpu.memory_space<vmem_shared>> -> memref<200x64xf32, #tpu.memory_space<vmem_shared>>
    tpu.enqueue_dma source(%dma_start3A_309 : memref<200x64xf32, #tpu.memory_space<vmem_shared>>) target(%dma_start3A_305 : memref<200x64xf32, #tpu.memory_space<hbm>>) target_semaphore(%arg7 : memref<!tpu.dma_semaphore, #tpu.memory_space<semaphore_mem>>)
    %add3A_310 = arith.constant 160 : i32
    %add3A_311 = arith.addi %add3A, %add3A_310 : i32
    %mul3A_312 = arith.constant 200 : i32
    %mul3A_313 = arith.muli %add3A_311, %mul3A_312 : i32
    %multiple_of3A_314 = tpu.assume_multiple %mul3A_313, 8 : i32
    %dma_wait3A_315 = arith.constant 1 : i32
    %dma_wait3A_316 = arith.constant 0 : i32
    %dma_wait3A_317 = tpu.memref_slice %arg3[%multiple_of3A_314, %dma_wait3A_316] : memref<100000x64xf32, #tpu.memory_space<hbm>> -> memref<200x64xf32, #tpu.memory_space<hbm>>
    %dma_wait3A_318 = arith.constant 0 : i32
    %dma_wait3A_319 = arith.constant 0 : i32
    %dma_wait3A_320 = tpu.memref_slice %arg4[%arg1, %dma_wait3A_315, %dma_wait3A_318, %dma_wait3A_319] : memref<16x2x200x64xf32, #tpu.memory_space<vmem_shared>> -> memref<1x1x200x64xf32, #tpu.memory_space<vmem_shared>>
    %dma_wait3A_321 = tpu.memref_squeeze %dma_wait3A_320 : memref<1x1x200x64xf32, #tpu.memory_space<vmem_shared>> -> memref<200x64xf32, #tpu.memory_space<vmem_shared>>
    tpu.wait_dma2 semaphore(%arg8 : memref<!tpu.dma_semaphore, #tpu.memory_space<semaphore_mem>>) src(%dma_wait3A_321 : memref<200x64xf32, #tpu.memory_space<vmem_shared>>) dst(%dma_wait3A_317 : memref<200x64xf32, #tpu.memory_space<hbm>>)
    %add3A_322 = arith.constant 224 : i32
    %add3A_323 = arith.addi %add3A, %add3A_322 : i32
    %mul3A_324 = arith.constant 200 : i32
    %mul3A_325 = arith.muli %add3A_323, %mul3A_324 : i32
    %multiple_of3A_326 = tpu.assume_multiple %mul3A_325, 8 : i32
    %dma_start3A_327 = arith.constant 1 : i32
    %dma_start3A_328 = arith.constant 0 : i32
    %dma_start3A_329 = arith.constant 0 : i32
    %dma_start3A_330 = tpu.memref_slice %arg4[%arg1, %dma_start3A_327, %dma_start3A_328, %dma_start3A_329] : memref<16x2x200x64xf32, #tpu.memory_space<vmem_shared>> -> memref<1x1x200x64xf32, #tpu.memory_space<vmem_shared>>
    %dma_start3A_331 = tpu.memref_squeeze %dma_start3A_330 : memref<1x1x200x64xf32, #tpu.memory_space<vmem_shared>> -> memref<200x64xf32, #tpu.memory_space<vmem_shared>>
    %dma_start3A_332 = arith.constant 0 : i32
    %dma_start3A_333 = tpu.memref_slice %arg2[%multiple_of3A_326, %dma_start3A_332] : memref<100000x64xf32, #tpu.memory_space<hbm>> -> memref<200x64xf32, #tpu.memory_space<hbm>>
    tpu.enqueue_dma source(%dma_start3A_333 : memref<200x64xf32, #tpu.memory_space<hbm>>) target(%dma_start3A_331 : memref<200x64xf32, #tpu.memory_space<vmem_shared>>) target_semaphore(%arg6 : memref<!tpu.dma_semaphore, #tpu.memory_space<semaphore_mem>>)
    %add3A_334 = arith.constant 224 : i32
    %add3A_335 = arith.addi %add3A, %add3A_334 : i32
    %mul3A_336 = arith.constant 200 : i32
    %mul3A_337 = arith.muli %add3A_335, %mul3A_336 : i32
    %multiple_of3A_338 = tpu.assume_multiple %mul3A_337, 8 : i32
    %dma_wait3A_339 = arith.constant 1 : i32
    %dma_wait3A_340 = arith.constant 0 : i32
    %dma_wait3A_341 = arith.constant 0 : i32
    %dma_wait3A_342 = tpu.memref_slice %arg4[%arg1, %dma_wait3A_339, %dma_wait3A_340, %dma_wait3A_341] : memref<16x2x200x64xf32, #tpu.memory_space<vmem_shared>> -> memref<1x1x200x64xf32, #tpu.memory_space<vmem_shared>>
    %dma_wait3A_343 = tpu.memref_squeeze %dma_wait3A_342 : memref<1x1x200x64xf32, #tpu.memory_space<vmem_shared>> -> memref<200x64xf32, #tpu.memory_space<vmem_shared>>
    %dma_wait3A_344 = arith.constant 0 : i32
    %dma_wait3A_345 = tpu.memref_slice %arg2[%multiple_of3A_338, %dma_wait3A_344] : memref<100000x64xf32, #tpu.memory_space<hbm>> -> memref<200x64xf32, #tpu.memory_space<hbm>>
    tpu.wait_dma2 semaphore(%arg6 : memref<!tpu.dma_semaphore, #tpu.memory_space<semaphore_mem>>) src(%dma_wait3A_345 : memref<200x64xf32, #tpu.memory_space<hbm>>) dst(%dma_wait3A_343 : memref<200x64xf32, #tpu.memory_space<vmem_shared>>)
    %add3A_346 = arith.constant 224 : i32
    %add3A_347 = arith.addi %add3A, %add3A_346 : i32
    %mul3A_348 = arith.constant 200 : i32
    %mul3A_349 = arith.muli %add3A_347, %mul3A_348 : i32
    %multiple_of3A_350 = tpu.assume_multiple %mul3A_349, 8 : i32
    %dma_start3A_351 = arith.constant 1 : i32
    %dma_start3A_352 = arith.constant 0 : i32
    %dma_start3A_353 = tpu.memref_slice %arg3[%multiple_of3A_350, %dma_start3A_352] : memref<100000x64xf32, #tpu.memory_space<hbm>> -> memref<200x64xf32, #tpu.memory_space<hbm>>
    %dma_start3A_354 = arith.constant 0 : i32
    %dma_start3A_355 = arith.constant 0 : i32
    %dma_start3A_356 = tpu.memref_slice %arg4[%arg1, %dma_start3A_351, %dma_start3A_354, %dma_start3A_355] : memref<16x2x200x64xf32, #tpu.memory_space<vmem_shared>> -> memref<1x1x200x64xf32, #tpu.memory_space<vmem_shared>>
    %dma_start3A_357 = tpu.memref_squeeze %dma_start3A_356 : memref<1x1x200x64xf32, #tpu.memory_space<vmem_shared>> -> memref<200x64xf32, #tpu.memory_space<vmem_shared>>
    tpu.enqueue_dma source(%dma_start3A_357 : memref<200x64xf32, #tpu.memory_space<vmem_shared>>) target(%dma_start3A_353 : memref<200x64xf32, #tpu.memory_space<hbm>>) target_semaphore(%arg8 : memref<!tpu.dma_semaphore, #tpu.memory_space<semaphore_mem>>)
    %add3A_358 = arith.constant 192 : i32
    %add3A_359 = arith.addi %add3A, %add3A_358 : i32
    %mul3A_360 = arith.constant 200 : i32
    %mul3A_361 = arith.muli %add3A_359, %mul3A_360 : i32
    %multiple_of3A_362 = tpu.assume_multiple %mul3A_361, 8 : i32
    %dma_wait3A_363 = arith.constant 0 : i32
    %dma_wait3A_364 = arith.constant 0 : i32
    %dma_wait3A_365 = tpu.memref_slice %arg3[%multiple_of3A_362, %dma_wait3A_364] : memref<100000x64xf32, #tpu.memory_space<hbm>> -> memref<200x64xf32, #tpu.memory_space<hbm>>
    %dma_wait3A_366 = arith.constant 0 : i32
    %dma_wait3A_367 = arith.constant 0 : i32
    %dma_wait3A_368 = tpu.memref_slice %arg4[%arg1, %dma_wait3A_363, %dma_wait3A_366, %dma_wait3A_367] : memref<16x2x200x64xf32, #tpu.memory_space<vmem_shared>> -> memref<1x1x200x64xf32, #tpu.memory_space<vmem_shared>>
    %dma_wait3A_369 = tpu.memref_squeeze %dma_wait3A_368 : memref<1x1x200x64xf32, #tpu.memory_space<vmem_shared>> -> memref<200x64xf32, #tpu.memory_space<vmem_shared>>
    tpu.wait_dma2 semaphore(%arg7 : memref<!tpu.dma_semaphore, #tpu.memory_space<semaphore_mem>>) src(%dma_wait3A_369 : memref<200x64xf32, #tpu.memory_space<vmem_shared>>) dst(%dma_wait3A_365 : memref<200x64xf32, #tpu.memory_space<hbm>>)
    %add3A_370 = arith.constant 256 : i32
    %add3A_371 = arith.addi %add3A, %add3A_370 : i32
    %mul3A_372 = arith.constant 200 : i32
    %mul3A_373 = arith.muli %add3A_371, %mul3A_372 : i32
    %multiple_of3A_374 = tpu.assume_multiple %mul3A_373, 8 : i32
    %dma_start3A_375 = arith.constant 0 : i32
    %dma_start3A_376 = arith.constant 0 : i32
    %dma_start3A_377 = arith.constant 0 : i32
    %dma_start3A_378 = tpu.memref_slice %arg4[%arg1, %dma_start3A_375, %dma_start3A_376, %dma_start3A_377] : memref<16x2x200x64xf32, #tpu.memory_space<vmem_shared>> -> memref<1x1x200x64xf32, #tpu.memory_space<vmem_shared>>
    %dma_start3A_379 = tpu.memref_squeeze %dma_start3A_378 : memref<1x1x200x64xf32, #tpu.memory_space<vmem_shared>> -> memref<200x64xf32, #tpu.memory_space<vmem_shared>>
    %dma_start3A_380 = arith.constant 0 : i32
    %dma_start3A_381 = tpu.memref_slice %arg2[%multiple_of3A_374, %dma_start3A_380] : memref<100000x64xf32, #tpu.memory_space<hbm>> -> memref<200x64xf32, #tpu.memory_space<hbm>>
    tpu.enqueue_dma source(%dma_start3A_381 : memref<200x64xf32, #tpu.memory_space<hbm>>) target(%dma_start3A_379 : memref<200x64xf32, #tpu.memory_space<vmem_shared>>) target_semaphore(%arg5 : memref<!tpu.dma_semaphore, #tpu.memory_space<semaphore_mem>>)
    %add3A_382 = arith.constant 256 : i32
    %add3A_383 = arith.addi %add3A, %add3A_382 : i32
    %mul3A_384 = arith.constant 200 : i32
    %mul3A_385 = arith.muli %add3A_383, %mul3A_384 : i32
    %multiple_of3A_386 = tpu.assume_multiple %mul3A_385, 8 : i32
    %dma_wait3A_387 = arith.constant 0 : i32
    %dma_wait3A_388 = arith.constant 0 : i32
    %dma_wait3A_389 = arith.constant 0 : i32
    %dma_wait3A_390 = tpu.memref_slice %arg4[%arg1, %dma_wait3A_387, %dma_wait3A_388, %dma_wait3A_389] : memref<16x2x200x64xf32, #tpu.memory_space<vmem_shared>> -> memref<1x1x200x64xf32, #tpu.memory_space<vmem_shared>>
    %dma_wait3A_391 = tpu.memref_squeeze %dma_wait3A_390 : memref<1x1x200x64xf32, #tpu.memory_space<vmem_shared>> -> memref<200x64xf32, #tpu.memory_space<vmem_shared>>
    %dma_wait3A_392 = arith.constant 0 : i32
    %dma_wait3A_393 = tpu.memref_slice %arg2[%multiple_of3A_386, %dma_wait3A_392] : memref<100000x64xf32, #tpu.memory_space<hbm>> -> memref<200x64xf32, #tpu.memory_space<hbm>>
    tpu.wait_dma2 semaphore(%arg5 : memref<!tpu.dma_semaphore, #tpu.memory_space<semaphore_mem>>) src(%dma_wait3A_393 : memref<200x64xf32, #tpu.memory_space<hbm>>) dst(%dma_wait3A_391 : memref<200x64xf32, #tpu.memory_space<vmem_shared>>)
    %add3A_394 = arith.constant 256 : i32
    %add3A_395 = arith.addi %add3A, %add3A_394 : i32
    %mul3A_396 = arith.constant 200 : i32
    %mul3A_397 = arith.muli %add3A_395, %mul3A_396 : i32
    %multiple_of3A_398 = tpu.assume_multiple %mul3A_397, 8 : i32
    %dma_start3A_399 = arith.constant 0 : i32
    %dma_start3A_400 = arith.constant 0 : i32
    %dma_start3A_401 = tpu.memref_slice %arg3[%multiple_of3A_398, %dma_start3A_400] : memref<100000x64xf32, #tpu.memory_space<hbm>> -> memref<200x64xf32, #tpu.memory_space<hbm>>
    %dma_start3A_402 = arith.constant 0 : i32
    %dma_start3A_403 = arith.constant 0 : i32
    %dma_start3A_404 = tpu.memref_slice %arg4[%arg1, %dma_start3A_399, %dma_start3A_402, %dma_start3A_403] : memref<16x2x200x64xf32, #tpu.memory_space<vmem_shared>> -> memref<1x1x200x64xf32, #tpu.memory_space<vmem_shared>>
    %dma_start3A_405 = tpu.memref_squeeze %dma_start3A_404 : memref<1x1x200x64xf32, #tpu.memory_space<vmem_shared>> -> memref<200x64xf32, #tpu.memory_space<vmem_shared>>
    tpu.enqueue_dma source(%dma_start3A_405 : memref<200x64xf32, #tpu.memory_space<vmem_shared>>) target(%dma_start3A_401 : memref<200x64xf32, #tpu.memory_space<hbm>>) target_semaphore(%arg7 : memref<!tpu.dma_semaphore, #tpu.memory_space<semaphore_mem>>)
    %add3A_406 = arith.constant 224 : i32
    %add3A_407 = arith.addi %add3A, %add3A_406 : i32
    %mul3A_408 = arith.constant 200 : i32
    %mul3A_409 = arith.muli %add3A_407, %mul3A_408 : i32
    %multiple_of3A_410 = tpu.assume_multiple %mul3A_409, 8 : i32
    %dma_wait3A_411 = arith.constant 1 : i32
    %dma_wait3A_412 = arith.constant 0 : i32
    %dma_wait3A_413 = tpu.memref_slice %arg3[%multiple_of3A_410, %dma_wait3A_412] : memref<100000x64xf32, #tpu.memory_space<hbm>> -> memref<200x64xf32, #tpu.memory_space<hbm>>
    %dma_wait3A_414 = arith.constant 0 : i32
    %dma_wait3A_415 = arith.constant 0 : i32
    %dma_wait3A_416 = tpu.memref_slice %arg4[%arg1, %dma_wait3A_411, %dma_wait3A_414, %dma_wait3A_415] : memref<16x2x200x64xf32, #tpu.memory_space<vmem_shared>> -> memref<1x1x200x64xf32, #tpu.memory_space<vmem_shared>>
    %dma_wait3A_417 = tpu.memref_squeeze %dma_wait3A_416 : memref<1x1x200x64xf32, #tpu.memory_space<vmem_shared>> -> memref<200x64xf32, #tpu.memory_space<vmem_shared>>
    tpu.wait_dma2 semaphore(%arg8 : memref<!tpu.dma_semaphore, #tpu.memory_space<semaphore_mem>>) src(%dma_wait3A_417 : memref<200x64xf32, #tpu.memory_space<vmem_shared>>) dst(%dma_wait3A_413 : memref<200x64xf32, #tpu.memory_space<hbm>>)
    %add3A_418 = arith.constant 288 : i32
    %add3A_419 = arith.addi %add3A, %add3A_418 : i32
    %mul3A_420 = arith.constant 200 : i32
    %mul3A_421 = arith.muli %add3A_419, %mul3A_420 : i32
    %multiple_of3A_422 = tpu.assume_multiple %mul3A_421, 8 : i32
    %dma_start3A_423 = arith.constant 1 : i32
    %dma_start3A_424 = arith.constant 0 : i32
    %dma_start3A_425 = arith.constant 0 : i32
    %dma_start3A_426 = tpu.memref_slice %arg4[%arg1, %dma_start3A_423, %dma_start3A_424, %dma_start3A_425] : memref<16x2x200x64xf32, #tpu.memory_space<vmem_shared>> -> memref<1x1x200x64xf32, #tpu.memory_space<vmem_shared>>
    %dma_start3A_427 = tpu.memref_squeeze %dma_start3A_426 : memref<1x1x200x64xf32, #tpu.memory_space<vmem_shared>> -> memref<200x64xf32, #tpu.memory_space<vmem_shared>>
    %dma_start3A_428 = arith.constant 0 : i32
    %dma_start3A_429 = tpu.memref_slice %arg2[%multiple_of3A_422, %dma_start3A_428] : memref<100000x64xf32, #tpu.memory_space<hbm>> -> memref<200x64xf32, #tpu.memory_space<hbm>>
    tpu.enqueue_dma source(%dma_start3A_429 : memref<200x64xf32, #tpu.memory_space<hbm>>) target(%dma_start3A_427 : memref<200x64xf32, #tpu.memory_space<vmem_shared>>) target_semaphore(%arg6 : memref<!tpu.dma_semaphore, #tpu.memory_space<semaphore_mem>>)
    %add3A_430 = arith.constant 288 : i32
    %add3A_431 = arith.addi %add3A, %add3A_430 : i32
    %mul3A_432 = arith.constant 200 : i32
    %mul3A_433 = arith.muli %add3A_431, %mul3A_432 : i32
    %multiple_of3A_434 = tpu.assume_multiple %mul3A_433, 8 : i32
    %dma_wait3A_435 = arith.constant 1 : i32
    %dma_wait3A_436 = arith.constant 0 : i32
    %dma_wait3A_437 = arith.constant 0 : i32
    %dma_wait3A_438 = tpu.memref_slice %arg4[%arg1, %dma_wait3A_435, %dma_wait3A_436, %dma_wait3A_437] : memref<16x2x200x64xf32, #tpu.memory_space<vmem_shared>> -> memref<1x1x200x64xf32, #tpu.memory_space<vmem_shared>>
    %dma_wait3A_439 = tpu.memref_squeeze %dma_wait3A_438 : memref<1x1x200x64xf32, #tpu.memory_space<vmem_shared>> -> memref<200x64xf32, #tpu.memory_space<vmem_shared>>
    %dma_wait3A_440 = arith.constant 0 : i32
    %dma_wait3A_441 = tpu.memref_slice %arg2[%multiple_of3A_434, %dma_wait3A_440] : memref<100000x64xf32, #tpu.memory_space<hbm>> -> memref<200x64xf32, #tpu.memory_space<hbm>>
    tpu.wait_dma2 semaphore(%arg6 : memref<!tpu.dma_semaphore, #tpu.memory_space<semaphore_mem>>) src(%dma_wait3A_441 : memref<200x64xf32, #tpu.memory_space<hbm>>) dst(%dma_wait3A_439 : memref<200x64xf32, #tpu.memory_space<vmem_shared>>)
    %add3A_442 = arith.constant 288 : i32
    %add3A_443 = arith.addi %add3A, %add3A_442 : i32
    %mul3A_444 = arith.constant 200 : i32
    %mul3A_445 = arith.muli %add3A_443, %mul3A_444 : i32
    %multiple_of3A_446 = tpu.assume_multiple %mul3A_445, 8 : i32
    %dma_start3A_447 = arith.constant 1 : i32
    %dma_start3A_448 = arith.constant 0 : i32
    %dma_start3A_449 = tpu.memref_slice %arg3[%multiple_of3A_446, %dma_start3A_448] : memref<100000x64xf32, #tpu.memory_space<hbm>> -> memref<200x64xf32, #tpu.memory_space<hbm>>
    %dma_start3A_450 = arith.constant 0 : i32
    %dma_start3A_451 = arith.constant 0 : i32
    %dma_start3A_452 = tpu.memref_slice %arg4[%arg1, %dma_start3A_447, %dma_start3A_450, %dma_start3A_451] : memref<16x2x200x64xf32, #tpu.memory_space<vmem_shared>> -> memref<1x1x200x64xf32, #tpu.memory_space<vmem_shared>>
    %dma_start3A_453 = tpu.memref_squeeze %dma_start3A_452 : memref<1x1x200x64xf32, #tpu.memory_space<vmem_shared>> -> memref<200x64xf32, #tpu.memory_space<vmem_shared>>
    tpu.enqueue_dma source(%dma_start3A_453 : memref<200x64xf32, #tpu.memory_space<vmem_shared>>) target(%dma_start3A_449 : memref<200x64xf32, #tpu.memory_space<hbm>>) target_semaphore(%arg8 : memref<!tpu.dma_semaphore, #tpu.memory_space<semaphore_mem>>)
    %add3A_454 = arith.constant 256 : i32
    %add3A_455 = arith.addi %add3A, %add3A_454 : i32
    %mul3A_456 = arith.constant 200 : i32
    %mul3A_457 = arith.muli %add3A_455, %mul3A_456 : i32
    %multiple_of3A_458 = tpu.assume_multiple %mul3A_457, 8 : i32
    %dma_wait3A_459 = arith.constant 0 : i32
    %dma_wait3A_460 = arith.constant 0 : i32
    %dma_wait3A_461 = tpu.memref_slice %arg3[%multiple_of3A_458, %dma_wait3A_460] : memref<100000x64xf32, #tpu.memory_space<hbm>> -> memref<200x64xf32, #tpu.memory_space<hbm>>
    %dma_wait3A_462 = arith.constant 0 : i32
    %dma_wait3A_463 = arith.constant 0 : i32
    %dma_wait3A_464 = tpu.memref_slice %arg4[%arg1, %dma_wait3A_459, %dma_wait3A_462, %dma_wait3A_463] : memref<16x2x200x64xf32, #tpu.memory_space<vmem_shared>> -> memref<1x1x200x64xf32, #tpu.memory_space<vmem_shared>>
    %dma_wait3A_465 = tpu.memref_squeeze %dma_wait3A_464 : memref<1x1x200x64xf32, #tpu.memory_space<vmem_shared>> -> memref<200x64xf32, #tpu.memory_space<vmem_shared>>
    tpu.wait_dma2 semaphore(%arg7 : memref<!tpu.dma_semaphore, #tpu.memory_space<semaphore_mem>>) src(%dma_wait3A_465 : memref<200x64xf32, #tpu.memory_space<vmem_shared>>) dst(%dma_wait3A_461 : memref<200x64xf32, #tpu.memory_space<hbm>>)
    %add3A_466 = arith.constant 320 : i32
    %add3A_467 = arith.addi %add3A, %add3A_466 : i32
    %mul3A_468 = arith.constant 200 : i32
    %mul3A_469 = arith.muli %add3A_467, %mul3A_468 : i32
    %multiple_of3A_470 = tpu.assume_multiple %mul3A_469, 8 : i32
    %dma_start3A_471 = arith.constant 0 : i32
    %dma_start3A_472 = arith.constant 0 : i32
    %dma_start3A_473 = arith.constant 0 : i32
    %dma_start3A_474 = tpu.memref_slice %arg4[%arg1, %dma_start3A_471, %dma_start3A_472, %dma_start3A_473] : memref<16x2x200x64xf32, #tpu.memory_space<vmem_shared>> -> memref<1x1x200x64xf32, #tpu.memory_space<vmem_shared>>
    %dma_start3A_475 = tpu.memref_squeeze %dma_start3A_474 : memref<1x1x200x64xf32, #tpu.memory_space<vmem_shared>> -> memref<200x64xf32, #tpu.memory_space<vmem_shared>>
    %dma_start3A_476 = arith.constant 0 : i32
    %dma_start3A_477 = tpu.memref_slice %arg2[%multiple_of3A_470, %dma_start3A_476] : memref<100000x64xf32, #tpu.memory_space<hbm>> -> memref<200x64xf32, #tpu.memory_space<hbm>>
    tpu.enqueue_dma source(%dma_start3A_477 : memref<200x64xf32, #tpu.memory_space<hbm>>) target(%dma_start3A_475 : memref<200x64xf32, #tpu.memory_space<vmem_shared>>) target_semaphore(%arg5 : memref<!tpu.dma_semaphore, #tpu.memory_space<semaphore_mem>>)
    %add3A_478 = arith.constant 320 : i32
    %add3A_479 = arith.addi %add3A, %add3A_478 : i32
    %mul3A_480 = arith.constant 200 : i32
    %mul3A_481 = arith.muli %add3A_479, %mul3A_480 : i32
    %multiple_of3A_482 = tpu.assume_multiple %mul3A_481, 8 : i32
    %dma_wait3A_483 = arith.constant 0 : i32
    %dma_wait3A_484 = arith.constant 0 : i32
    %dma_wait3A_485 = arith.constant 0 : i32
    %dma_wait3A_486 = tpu.memref_slice %arg4[%arg1, %dma_wait3A_483, %dma_wait3A_484, %dma_wait3A_485] : memref<16x2x200x64xf32, #tpu.memory_space<vmem_shared>> -> memref<1x1x200x64xf32, #tpu.memory_space<vmem_shared>>
    %dma_wait3A_487 = tpu.memref_squeeze %dma_wait3A_486 : memref<1x1x200x64xf32, #tpu.memory_space<vmem_shared>> -> memref<200x64xf32, #tpu.memory_space<vmem_shared>>
    %dma_wait3A_488 = arith.constant 0 : i32
    %dma_wait3A_489 = tpu.memref_slice %arg2[%multiple_of3A_482, %dma_wait3A_488] : memref<100000x64xf32, #tpu.memory_space<hbm>> -> memref<200x64xf32, #tpu.memory_space<hbm>>
    tpu.wait_dma2 semaphore(%arg5 : memref<!tpu.dma_semaphore, #tpu.memory_space<semaphore_mem>>) src(%dma_wait3A_489 : memref<200x64xf32, #tpu.memory_space<hbm>>) dst(%dma_wait3A_487 : memref<200x64xf32, #tpu.memory_space<vmem_shared>>)
    %add3A_490 = arith.constant 320 : i32
    %add3A_491 = arith.addi %add3A, %add3A_490 : i32
    %mul3A_492 = arith.constant 200 : i32
    %mul3A_493 = arith.muli %add3A_491, %mul3A_492 : i32
    %multiple_of3A_494 = tpu.assume_multiple %mul3A_493, 8 : i32
    %dma_start3A_495 = arith.constant 0 : i32
    %dma_start3A_496 = arith.constant 0 : i32
    %dma_start3A_497 = tpu.memref_slice %arg3[%multiple_of3A_494, %dma_start3A_496] : memref<100000x64xf32, #tpu.memory_space<hbm>> -> memref<200x64xf32, #tpu.memory_space<hbm>>
    %dma_start3A_498 = arith.constant 0 : i32
    %dma_start3A_499 = arith.constant 0 : i32
    %dma_start3A_500 = tpu.memref_slice %arg4[%arg1, %dma_start3A_495, %dma_start3A_498, %dma_start3A_499] : memref<16x2x200x64xf32, #tpu.memory_space<vmem_shared>> -> memref<1x1x200x64xf32, #tpu.memory_space<vmem_shared>>
    %dma_start3A_501 = tpu.memref_squeeze %dma_start3A_500 : memref<1x1x200x64xf32, #tpu.memory_space<vmem_shared>> -> memref<200x64xf32, #tpu.memory_space<vmem_shared>>
    tpu.enqueue_dma source(%dma_start3A_501 : memref<200x64xf32, #tpu.memory_space<vmem_shared>>) target(%dma_start3A_497 : memref<200x64xf32, #tpu.memory_space<hbm>>) target_semaphore(%arg7 : memref<!tpu.dma_semaphore, #tpu.memory_space<semaphore_mem>>)
    %add3A_502 = arith.constant 288 : i32
    %add3A_503 = arith.addi %add3A, %add3A_502 : i32
    %mul3A_504 = arith.constant 200 : i32
    %mul3A_505 = arith.muli %add3A_503, %mul3A_504 : i32
    %multiple_of3A_506 = tpu.assume_multiple %mul3A_505, 8 : i32
    %dma_wait3A_507 = arith.constant 1 : i32
    %dma_wait3A_508 = arith.constant 0 : i32
    %dma_wait3A_509 = tpu.memref_slice %arg3[%multiple_of3A_506, %dma_wait3A_508] : memref<100000x64xf32, #tpu.memory_space<hbm>> -> memref<200x64xf32, #tpu.memory_space<hbm>>
    %dma_wait3A_510 = arith.constant 0 : i32
    %dma_wait3A_511 = arith.constant 0 : i32
    %dma_wait3A_512 = tpu.memref_slice %arg4[%arg1, %dma_wait3A_507, %dma_wait3A_510, %dma_wait3A_511] : memref<16x2x200x64xf32, #tpu.memory_space<vmem_shared>> -> memref<1x1x200x64xf32, #tpu.memory_space<vmem_shared>>
    %dma_wait3A_513 = tpu.memref_squeeze %dma_wait3A_512 : memref<1x1x200x64xf32, #tpu.memory_space<vmem_shared>> -> memref<200x64xf32, #tpu.memory_space<vmem_shared>>
    tpu.wait_dma2 semaphore(%arg8 : memref<!tpu.dma_semaphore, #tpu.memory_space<semaphore_mem>>) src(%dma_wait3A_513 : memref<200x64xf32, #tpu.memory_space<vmem_shared>>) dst(%dma_wait3A_509 : memref<200x64xf32, #tpu.memory_space<hbm>>)
    %add3A_514 = arith.constant 352 : i32
    %add3A_515 = arith.addi %add3A, %add3A_514 : i32
    %mul3A_516 = arith.constant 200 : i32
    %mul3A_517 = arith.muli %add3A_515, %mul3A_516 : i32
    %multiple_of3A_518 = tpu.assume_multiple %mul3A_517, 8 : i32
    %dma_start3A_519 = arith.constant 1 : i32
    %dma_start3A_520 = arith.constant 0 : i32
    %dma_start3A_521 = arith.constant 0 : i32
    %dma_start3A_522 = tpu.memref_slice %arg4[%arg1, %dma_start3A_519, %dma_start3A_520, %dma_start3A_521] : memref<16x2x200x64xf32, #tpu.memory_space<vmem_shared>> -> memref<1x1x200x64xf32, #tpu.memory_space<vmem_shared>>
    %dma_start3A_523 = tpu.memref_squeeze %dma_start3A_522 : memref<1x1x200x64xf32, #tpu.memory_space<vmem_shared>> -> memref<200x64xf32, #tpu.memory_space<vmem_shared>>
    %dma_start3A_524 = arith.constant 0 : i32
    %dma_start3A_525 = tpu.memref_slice %arg2[%multiple_of3A_518, %dma_start3A_524] : memref<100000x64xf32, #tpu.memory_space<hbm>> -> memref<200x64xf32, #tpu.memory_space<hbm>>
    tpu.enqueue_dma source(%dma_start3A_525 : memref<200x64xf32, #tpu.memory_space<hbm>>) target(%dma_start3A_523 : memref<200x64xf32, #tpu.memory_space<vmem_shared>>) target_semaphore(%arg6 : memref<!tpu.dma_semaphore, #tpu.memory_space<semaphore_mem>>)
    %add3A_526 = arith.constant 352 : i32
    %add3A_527 = arith.addi %add3A, %add3A_526 : i32
    %mul3A_528 = arith.constant 200 : i32
    %mul3A_529 = arith.muli %add3A_527, %mul3A_528 : i32
    %multiple_of3A_530 = tpu.assume_multiple %mul3A_529, 8 : i32
    %dma_wait3A_531 = arith.constant 1 : i32
    %dma_wait3A_532 = arith.constant 0 : i32
    %dma_wait3A_533 = arith.constant 0 : i32
    %dma_wait3A_534 = tpu.memref_slice %arg4[%arg1, %dma_wait3A_531, %dma_wait3A_532, %dma_wait3A_533] : memref<16x2x200x64xf32, #tpu.memory_space<vmem_shared>> -> memref<1x1x200x64xf32, #tpu.memory_space<vmem_shared>>
    %dma_wait3A_535 = tpu.memref_squeeze %dma_wait3A_534 : memref<1x1x200x64xf32, #tpu.memory_space<vmem_shared>> -> memref<200x64xf32, #tpu.memory_space<vmem_shared>>
    %dma_wait3A_536 = arith.constant 0 : i32
    %dma_wait3A_537 = tpu.memref_slice %arg2[%multiple_of3A_530, %dma_wait3A_536] : memref<100000x64xf32, #tpu.memory_space<hbm>> -> memref<200x64xf32, #tpu.memory_space<hbm>>
    tpu.wait_dma2 semaphore(%arg6 : memref<!tpu.dma_semaphore, #tpu.memory_space<semaphore_mem>>) src(%dma_wait3A_537 : memref<200x64xf32, #tpu.memory_space<hbm>>) dst(%dma_wait3A_535 : memref<200x64xf32, #tpu.memory_space<vmem_shared>>)
    %add3A_538 = arith.constant 352 : i32
    %add3A_539 = arith.addi %add3A, %add3A_538 : i32
    %mul3A_540 = arith.constant 200 : i32
    %mul3A_541 = arith.muli %add3A_539, %mul3A_540 : i32
    %multiple_of3A_542 = tpu.assume_multiple %mul3A_541, 8 : i32
    %dma_start3A_543 = arith.constant 1 : i32
    %dma_start3A_544 = arith.constant 0 : i32
    %dma_start3A_545 = tpu.memref_slice %arg3[%multiple_of3A_542, %dma_start3A_544] : memref<100000x64xf32, #tpu.memory_space<hbm>> -> memref<200x64xf32, #tpu.memory_space<hbm>>
    %dma_start3A_546 = arith.constant 0 : i32
    %dma_start3A_547 = arith.constant 0 : i32
    %dma_start3A_548 = tpu.memref_slice %arg4[%arg1, %dma_start3A_543, %dma_start3A_546, %dma_start3A_547] : memref<16x2x200x64xf32, #tpu.memory_space<vmem_shared>> -> memref<1x1x200x64xf32, #tpu.memory_space<vmem_shared>>
    %dma_start3A_549 = tpu.memref_squeeze %dma_start3A_548 : memref<1x1x200x64xf32, #tpu.memory_space<vmem_shared>> -> memref<200x64xf32, #tpu.memory_space<vmem_shared>>
    tpu.enqueue_dma source(%dma_start3A_549 : memref<200x64xf32, #tpu.memory_space<vmem_shared>>) target(%dma_start3A_545 : memref<200x64xf32, #tpu.memory_space<hbm>>) target_semaphore(%arg8 : memref<!tpu.dma_semaphore, #tpu.memory_space<semaphore_mem>>)
    %add3A_550 = arith.constant 320 : i32
    %add3A_551 = arith.addi %add3A, %add3A_550 : i32
    %mul3A_552 = arith.constant 200 : i32
    %mul3A_553 = arith.muli %add3A_551, %mul3A_552 : i32
    %multiple_of3A_554 = tpu.assume_multiple %mul3A_553, 8 : i32
    %dma_wait3A_555 = arith.constant 0 : i32
    %dma_wait3A_556 = arith.constant 0 : i32
    %dma_wait3A_557 = tpu.memref_slice %arg3[%multiple_of3A_554, %dma_wait3A_556] : memref<100000x64xf32, #tpu.memory_space<hbm>> -> memref<200x64xf32, #tpu.memory_space<hbm>>
    %dma_wait3A_558 = arith.constant 0 : i32
    %dma_wait3A_559 = arith.constant 0 : i32
    %dma_wait3A_560 = tpu.memref_slice %arg4[%arg1, %dma_wait3A_555, %dma_wait3A_558, %dma_wait3A_559] : memref<16x2x200x64xf32, #tpu.memory_space<vmem_shared>> -> memref<1x1x200x64xf32, #tpu.memory_space<vmem_shared>>
    %dma_wait3A_561 = tpu.memref_squeeze %dma_wait3A_560 : memref<1x1x200x64xf32, #tpu.memory_space<vmem_shared>> -> memref<200x64xf32, #tpu.memory_space<vmem_shared>>
    tpu.wait_dma2 semaphore(%arg7 : memref<!tpu.dma_semaphore, #tpu.memory_space<semaphore_mem>>) src(%dma_wait3A_561 : memref<200x64xf32, #tpu.memory_space<vmem_shared>>) dst(%dma_wait3A_557 : memref<200x64xf32, #tpu.memory_space<hbm>>)
    %add3A_562 = arith.constant 384 : i32
    %add3A_563 = arith.addi %add3A, %add3A_562 : i32
    %mul3A_564 = arith.constant 200 : i32
    %mul3A_565 = arith.muli %add3A_563, %mul3A_564 : i32
    %multiple_of3A_566 = tpu.assume_multiple %mul3A_565, 8 : i32
    %dma_start3A_567 = arith.constant 0 : i32
    %dma_start3A_568 = arith.constant 0 : i32
    %dma_start3A_569 = arith.constant 0 : i32
    %dma_start3A_570 = tpu.memref_slice %arg4[%arg1, %dma_start3A_567, %dma_start3A_568, %dma_start3A_569] : memref<16x2x200x64xf32, #tpu.memory_space<vmem_shared>> -> memref<1x1x200x64xf32, #tpu.memory_space<vmem_shared>>
    %dma_start3A_571 = tpu.memref_squeeze %dma_start3A_570 : memref<1x1x200x64xf32, #tpu.memory_space<vmem_shared>> -> memref<200x64xf32, #tpu.memory_space<vmem_shared>>
    %dma_start3A_572 = arith.constant 0 : i32
    %dma_start3A_573 = tpu.memref_slice %arg2[%multiple_of3A_566, %dma_start3A_572] : memref<100000x64xf32, #tpu.memory_space<hbm>> -> memref<200x64xf32, #tpu.memory_space<hbm>>
    tpu.enqueue_dma source(%dma_start3A_573 : memref<200x64xf32, #tpu.memory_space<hbm>>) target(%dma_start3A_571 : memref<200x64xf32, #tpu.memory_space<vmem_shared>>) target_semaphore(%arg5 : memref<!tpu.dma_semaphore, #tpu.memory_space<semaphore_mem>>)
    %add3A_574 = arith.constant 384 : i32
    %add3A_575 = arith.addi %add3A, %add3A_574 : i32
    %mul3A_576 = arith.constant 200 : i32
    %mul3A_577 = arith.muli %add3A_575, %mul3A_576 : i32
    %multiple_of3A_578 = tpu.assume_multiple %mul3A_577, 8 : i32
    %dma_wait3A_579 = arith.constant 0 : i32
    %dma_wait3A_580 = arith.constant 0 : i32
    %dma_wait3A_581 = arith.constant 0 : i32
    %dma_wait3A_582 = tpu.memref_slice %arg4[%arg1, %dma_wait3A_579, %dma_wait3A_580, %dma_wait3A_581] : memref<16x2x200x64xf32, #tpu.memory_space<vmem_shared>> -> memref<1x1x200x64xf32, #tpu.memory_space<vmem_shared>>
    %dma_wait3A_583 = tpu.memref_squeeze %dma_wait3A_582 : memref<1x1x200x64xf32, #tpu.memory_space<vmem_shared>> -> memref<200x64xf32, #tpu.memory_space<vmem_shared>>
    %dma_wait3A_584 = arith.constant 0 : i32
    %dma_wait3A_585 = tpu.memref_slice %arg2[%multiple_of3A_578, %dma_wait3A_584] : memref<100000x64xf32, #tpu.memory_space<hbm>> -> memref<200x64xf32, #tpu.memory_space<hbm>>
    tpu.wait_dma2 semaphore(%arg5 : memref<!tpu.dma_semaphore, #tpu.memory_space<semaphore_mem>>) src(%dma_wait3A_585 : memref<200x64xf32, #tpu.memory_space<hbm>>) dst(%dma_wait3A_583 : memref<200x64xf32, #tpu.memory_space<vmem_shared>>)
    %add3A_586 = arith.constant 384 : i32
    %add3A_587 = arith.addi %add3A, %add3A_586 : i32
    %mul3A_588 = arith.constant 200 : i32
    %mul3A_589 = arith.muli %add3A_587, %mul3A_588 : i32
    %multiple_of3A_590 = tpu.assume_multiple %mul3A_589, 8 : i32
    %dma_start3A_591 = arith.constant 0 : i32
    %dma_start3A_592 = arith.constant 0 : i32
    %dma_start3A_593 = tpu.memref_slice %arg3[%multiple_of3A_590, %dma_start3A_592] : memref<100000x64xf32, #tpu.memory_space<hbm>> -> memref<200x64xf32, #tpu.memory_space<hbm>>
    %dma_start3A_594 = arith.constant 0 : i32
    %dma_start3A_595 = arith.constant 0 : i32
    %dma_start3A_596 = tpu.memref_slice %arg4[%arg1, %dma_start3A_591, %dma_start3A_594, %dma_start3A_595] : memref<16x2x200x64xf32, #tpu.memory_space<vmem_shared>> -> memref<1x1x200x64xf32, #tpu.memory_space<vmem_shared>>
    %dma_start3A_597 = tpu.memref_squeeze %dma_start3A_596 : memref<1x1x200x64xf32, #tpu.memory_space<vmem_shared>> -> memref<200x64xf32, #tpu.memory_space<vmem_shared>>
    tpu.enqueue_dma source(%dma_start3A_597 : memref<200x64xf32, #tpu.memory_space<vmem_shared>>) target(%dma_start3A_593 : memref<200x64xf32, #tpu.memory_space<hbm>>) target_semaphore(%arg7 : memref<!tpu.dma_semaphore, #tpu.memory_space<semaphore_mem>>)
    %add3A_598 = arith.constant 352 : i32
    %add3A_599 = arith.addi %add3A, %add3A_598 : i32
    %mul3A_600 = arith.constant 200 : i32
    %mul3A_601 = arith.muli %add3A_599, %mul3A_600 : i32
    %multiple_of3A_602 = tpu.assume_multiple %mul3A_601, 8 : i32
    %dma_wait3A_603 = arith.constant 1 : i32
    %dma_wait3A_604 = arith.constant 0 : i32
    %dma_wait3A_605 = tpu.memref_slice %arg3[%multiple_of3A_602, %dma_wait3A_604] : memref<100000x64xf32, #tpu.memory_space<hbm>> -> memref<200x64xf32, #tpu.memory_space<hbm>>
    %dma_wait3A_606 = arith.constant 0 : i32
    %dma_wait3A_607 = arith.constant 0 : i32
    %dma_wait3A_608 = tpu.memref_slice %arg4[%arg1, %dma_wait3A_603, %dma_wait3A_606, %dma_wait3A_607] : memref<16x2x200x64xf32, #tpu.memory_space<vmem_shared>> -> memref<1x1x200x64xf32, #tpu.memory_space<vmem_shared>>
    %dma_wait3A_609 = tpu.memref_squeeze %dma_wait3A_608 : memref<1x1x200x64xf32, #tpu.memory_space<vmem_shared>> -> memref<200x64xf32, #tpu.memory_space<vmem_shared>>
    tpu.wait_dma2 semaphore(%arg8 : memref<!tpu.dma_semaphore, #tpu.memory_space<semaphore_mem>>) src(%dma_wait3A_609 : memref<200x64xf32, #tpu.memory_space<vmem_shared>>) dst(%dma_wait3A_605 : memref<200x64xf32, #tpu.memory_space<hbm>>)
    %add3A_610 = arith.constant 416 : i32
    %add3A_611 = arith.addi %add3A, %add3A_610 : i32
    %mul3A_612 = arith.constant 200 : i32
    %mul3A_613 = arith.muli %add3A_611, %mul3A_612 : i32
    %multiple_of3A_614 = tpu.assume_multiple %mul3A_613, 8 : i32
    %dma_start3A_615 = arith.constant 1 : i32
    %dma_start3A_616 = arith.constant 0 : i32
    %dma_start3A_617 = arith.constant 0 : i32
    %dma_start3A_618 = tpu.memref_slice %arg4[%arg1, %dma_start3A_615, %dma_start3A_616, %dma_start3A_617] : memref<16x2x200x64xf32, #tpu.memory_space<vmem_shared>> -> memref<1x1x200x64xf32, #tpu.memory_space<vmem_shared>>
    %dma_start3A_619 = tpu.memref_squeeze %dma_start3A_618 : memref<1x1x200x64xf32, #tpu.memory_space<vmem_shared>> -> memref<200x64xf32, #tpu.memory_space<vmem_shared>>
    %dma_start3A_620 = arith.constant 0 : i32
    %dma_start3A_621 = tpu.memref_slice %arg2[%multiple_of3A_614, %dma_start3A_620] : memref<100000x64xf32, #tpu.memory_space<hbm>> -> memref<200x64xf32, #tpu.memory_space<hbm>>
    tpu.enqueue_dma source(%dma_start3A_621 : memref<200x64xf32, #tpu.memory_space<hbm>>) target(%dma_start3A_619 : memref<200x64xf32, #tpu.memory_space<vmem_shared>>) target_semaphore(%arg6 : memref<!tpu.dma_semaphore, #tpu.memory_space<semaphore_mem>>)
    %add3A_622 = arith.constant 416 : i32
    %add3A_623 = arith.addi %add3A, %add3A_622 : i32
    %mul3A_624 = arith.constant 200 : i32
    %mul3A_625 = arith.muli %add3A_623, %mul3A_624 : i32
    %multiple_of3A_626 = tpu.assume_multiple %mul3A_625, 8 : i32
    %dma_wait3A_627 = arith.constant 1 : i32
    %dma_wait3A_628 = arith.constant 0 : i32
    %dma_wait3A_629 = arith.constant 0 : i32
    %dma_wait3A_630 = tpu.memref_slice %arg4[%arg1, %dma_wait3A_627, %dma_wait3A_628, %dma_wait3A_629] : memref<16x2x200x64xf32, #tpu.memory_space<vmem_shared>> -> memref<1x1x200x64xf32, #tpu.memory_space<vmem_shared>>
    %dma_wait3A_631 = tpu.memref_squeeze %dma_wait3A_630 : memref<1x1x200x64xf32, #tpu.memory_space<vmem_shared>> -> memref<200x64xf32, #tpu.memory_space<vmem_shared>>
    %dma_wait3A_632 = arith.constant 0 : i32
    %dma_wait3A_633 = tpu.memref_slice %arg2[%multiple_of3A_626, %dma_wait3A_632] : memref<100000x64xf32, #tpu.memory_space<hbm>> -> memref<200x64xf32, #tpu.memory_space<hbm>>
    tpu.wait_dma2 semaphore(%arg6 : memref<!tpu.dma_semaphore, #tpu.memory_space<semaphore_mem>>) src(%dma_wait3A_633 : memref<200x64xf32, #tpu.memory_space<hbm>>) dst(%dma_wait3A_631 : memref<200x64xf32, #tpu.memory_space<vmem_shared>>)
    %add3A_634 = arith.constant 416 : i32
    %add3A_635 = arith.addi %add3A, %add3A_634 : i32
    %mul3A_636 = arith.constant 200 : i32
    %mul3A_637 = arith.muli %add3A_635, %mul3A_636 : i32
    %multiple_of3A_638 = tpu.assume_multiple %mul3A_637, 8 : i32
    %dma_start3A_639 = arith.constant 1 : i32
    %dma_start3A_640 = arith.constant 0 : i32
    %dma_start3A_641 = tpu.memref_slice %arg3[%multiple_of3A_638, %dma_start3A_640] : memref<100000x64xf32, #tpu.memory_space<hbm>> -> memref<200x64xf32, #tpu.memory_space<hbm>>
    %dma_start3A_642 = arith.constant 0 : i32
    %dma_start3A_643 = arith.constant 0 : i32
    %dma_start3A_644 = tpu.memref_slice %arg4[%arg1, %dma_start3A_639, %dma_start3A_642, %dma_start3A_643] : memref<16x2x200x64xf32, #tpu.memory_space<vmem_shared>> -> memref<1x1x200x64xf32, #tpu.memory_space<vmem_shared>>
    %dma_start3A_645 = tpu.memref_squeeze %dma_start3A_644 : memref<1x1x200x64xf32, #tpu.memory_space<vmem_shared>> -> memref<200x64xf32, #tpu.memory_space<vmem_shared>>
    tpu.enqueue_dma source(%dma_start3A_645 : memref<200x64xf32, #tpu.memory_space<vmem_shared>>) target(%dma_start3A_641 : memref<200x64xf32, #tpu.memory_space<hbm>>) target_semaphore(%arg8 : memref<!tpu.dma_semaphore, #tpu.memory_space<semaphore_mem>>)
    %add3A_646 = arith.constant 384 : i32
    %add3A_647 = arith.addi %add3A, %add3A_646 : i32
    %mul3A_648 = arith.constant 200 : i32
    %mul3A_649 = arith.muli %add3A_647, %mul3A_648 : i32
    %multiple_of3A_650 = tpu.assume_multiple %mul3A_649, 8 : i32
    %dma_wait3A_651 = arith.constant 0 : i32
    %dma_wait3A_652 = arith.constant 0 : i32
    %dma_wait3A_653 = tpu.memref_slice %arg3[%multiple_of3A_650, %dma_wait3A_652] : memref<100000x64xf32, #tpu.memory_space<hbm>> -> memref<200x64xf32, #tpu.memory_space<hbm>>
    %dma_wait3A_654 = arith.constant 0 : i32
    %dma_wait3A_655 = arith.constant 0 : i32
    %dma_wait3A_656 = tpu.memref_slice %arg4[%arg1, %dma_wait3A_651, %dma_wait3A_654, %dma_wait3A_655] : memref<16x2x200x64xf32, #tpu.memory_space<vmem_shared>> -> memref<1x1x200x64xf32, #tpu.memory_space<vmem_shared>>
    %dma_wait3A_657 = tpu.memref_squeeze %dma_wait3A_656 : memref<1x1x200x64xf32, #tpu.memory_space<vmem_shared>> -> memref<200x64xf32, #tpu.memory_space<vmem_shared>>
    tpu.wait_dma2 semaphore(%arg7 : memref<!tpu.dma_semaphore, #tpu.memory_space<semaphore_mem>>) src(%dma_wait3A_657 : memref<200x64xf32, #tpu.memory_space<vmem_shared>>) dst(%dma_wait3A_653 : memref<200x64xf32, #tpu.memory_space<hbm>>)
    %add3A_658 = arith.constant 448 : i32
    %add3A_659 = arith.addi %add3A, %add3A_658 : i32
    %mul3A_660 = arith.constant 200 : i32
    %mul3A_661 = arith.muli %add3A_659, %mul3A_660 : i32
    %multiple_of3A_662 = tpu.assume_multiple %mul3A_661, 8 : i32
    %dma_start3A_663 = arith.constant 0 : i32
    %dma_start3A_664 = arith.constant 0 : i32
    %dma_start3A_665 = arith.constant 0 : i32
    %dma_start3A_666 = tpu.memref_slice %arg4[%arg1, %dma_start3A_663, %dma_start3A_664, %dma_start3A_665] : memref<16x2x200x64xf32, #tpu.memory_space<vmem_shared>> -> memref<1x1x200x64xf32, #tpu.memory_space<vmem_shared>>
    %dma_start3A_667 = tpu.memref_squeeze %dma_start3A_666 : memref<1x1x200x64xf32, #tpu.memory_space<vmem_shared>> -> memref<200x64xf32, #tpu.memory_space<vmem_shared>>
    %dma_start3A_668 = arith.constant 0 : i32
    %dma_start3A_669 = tpu.memref_slice %arg2[%multiple_of3A_662, %dma_start3A_668] : memref<100000x64xf32, #tpu.memory_space<hbm>> -> memref<200x64xf32, #tpu.memory_space<hbm>>
    tpu.enqueue_dma source(%dma_start3A_669 : memref<200x64xf32, #tpu.memory_space<hbm>>) target(%dma_start3A_667 : memref<200x64xf32, #tpu.memory_space<vmem_shared>>) target_semaphore(%arg5 : memref<!tpu.dma_semaphore, #tpu.memory_space<semaphore_mem>>)
    %add3A_670 = arith.constant 448 : i32
    %add3A_671 = arith.addi %add3A, %add3A_670 : i32
    %mul3A_672 = arith.constant 200 : i32
    %mul3A_673 = arith.muli %add3A_671, %mul3A_672 : i32
    %multiple_of3A_674 = tpu.assume_multiple %mul3A_673, 8 : i32
    %dma_wait3A_675 = arith.constant 0 : i32
    %dma_wait3A_676 = arith.constant 0 : i32
    %dma_wait3A_677 = arith.constant 0 : i32
    %dma_wait3A_678 = tpu.memref_slice %arg4[%arg1, %dma_wait3A_675, %dma_wait3A_676, %dma_wait3A_677] : memref<16x2x200x64xf32, #tpu.memory_space<vmem_shared>> -> memref<1x1x200x64xf32, #tpu.memory_space<vmem_shared>>
    %dma_wait3A_679 = tpu.memref_squeeze %dma_wait3A_678 : memref<1x1x200x64xf32, #tpu.memory_space<vmem_shared>> -> memref<200x64xf32, #tpu.memory_space<vmem_shared>>
    %dma_wait3A_680 = arith.constant 0 : i32
    %dma_wait3A_681 = tpu.memref_slice %arg2[%multiple_of3A_674, %dma_wait3A_680] : memref<100000x64xf32, #tpu.memory_space<hbm>> -> memref<200x64xf32, #tpu.memory_space<hbm>>
    tpu.wait_dma2 semaphore(%arg5 : memref<!tpu.dma_semaphore, #tpu.memory_space<semaphore_mem>>) src(%dma_wait3A_681 : memref<200x64xf32, #tpu.memory_space<hbm>>) dst(%dma_wait3A_679 : memref<200x64xf32, #tpu.memory_space<vmem_shared>>)
    %add3A_682 = arith.constant 448 : i32
    %add3A_683 = arith.addi %add3A, %add3A_682 : i32
    %mul3A_684 = arith.constant 200 : i32
    %mul3A_685 = arith.muli %add3A_683, %mul3A_684 : i32
    %multiple_of3A_686 = tpu.assume_multiple %mul3A_685, 8 : i32
    %dma_start3A_687 = arith.constant 0 : i32
    %dma_start3A_688 = arith.constant 0 : i32
    %dma_start3A_689 = tpu.memref_slice %arg3[%multiple_of3A_686, %dma_start3A_688] : memref<100000x64xf32, #tpu.memory_space<hbm>> -> memref<200x64xf32, #tpu.memory_space<hbm>>
    %dma_start3A_690 = arith.constant 0 : i32
    %dma_start3A_691 = arith.constant 0 : i32
    %dma_start3A_692 = tpu.memref_slice %arg4[%arg1, %dma_start3A_687, %dma_start3A_690, %dma_start3A_691] : memref<16x2x200x64xf32, #tpu.memory_space<vmem_shared>> -> memref<1x1x200x64xf32, #tpu.memory_space<vmem_shared>>
    %dma_start3A_693 = tpu.memref_squeeze %dma_start3A_692 : memref<1x1x200x64xf32, #tpu.memory_space<vmem_shared>> -> memref<200x64xf32, #tpu.memory_space<vmem_shared>>
    tpu.enqueue_dma source(%dma_start3A_693 : memref<200x64xf32, #tpu.memory_space<vmem_shared>>) target(%dma_start3A_689 : memref<200x64xf32, #tpu.memory_space<hbm>>) target_semaphore(%arg7 : memref<!tpu.dma_semaphore, #tpu.memory_space<semaphore_mem>>)
    %lt3A = arith.constant 20 : i32
    %lt3A_694 = arith.cmpi slt, %add3A, %lt3A : i32
    %convert_element_type3A = arith.extui %lt3A_694 : i1 to i32
    %cond3A = arith.constant 0 : i32
    %cond3A_695 = arith.cmpi ne, %convert_element_type3A, %cond3A : i32
    scf.if %cond3A_695 {
      %add3A_712 = arith.constant 416 : i32
      %add3A_713 = arith.addi %add3A, %add3A_712 : i32
      %mul3A_714 = arith.constant 200 : i32
      %mul3A_715 = arith.muli %add3A_713, %mul3A_714 : i32
      %multiple_of3A_716 = tpu.assume_multiple %mul3A_715, 8 : i32
      %dma_wait3A_717 = arith.constant 1 : i32
      %dma_wait3A_718 = arith.constant 0 : i32
      %dma_wait3A_719 = tpu.memref_slice %arg3[%multiple_of3A_716, %dma_wait3A_718] : memref<100000x64xf32, #tpu.memory_space<hbm>> -> memref<200x64xf32, #tpu.memory_space<hbm>>
      %dma_wait3A_720 = arith.constant 0 : i32
      %dma_wait3A_721 = arith.constant 0 : i32
      %dma_wait3A_722 = tpu.memref_slice %arg4[%arg1, %dma_wait3A_717, %dma_wait3A_720, %dma_wait3A_721] : memref<16x2x200x64xf32, #tpu.memory_space<vmem_shared>> -> memref<1x1x200x64xf32, #tpu.memory_space<vmem_shared>>
      %dma_wait3A_723 = tpu.memref_squeeze %dma_wait3A_722 : memref<1x1x200x64xf32, #tpu.memory_space<vmem_shared>> -> memref<200x64xf32, #tpu.memory_space<vmem_shared>>
      tpu.wait_dma2 semaphore(%arg8 : memref<!tpu.dma_semaphore, #tpu.memory_space<semaphore_mem>>) src(%dma_wait3A_723 : memref<200x64xf32, #tpu.memory_space<vmem_shared>>) dst(%dma_wait3A_719 : memref<200x64xf32, #tpu.memory_space<hbm>>)
      %add3A_724 = arith.constant 480 : i32
      %add3A_725 = arith.addi %add3A, %add3A_724 : i32
      %mul3A_726 = arith.constant 200 : i32
      %mul3A_727 = arith.muli %add3A_725, %mul3A_726 : i32
      %multiple_of3A_728 = tpu.assume_multiple %mul3A_727, 8 : i32
      %dma_start3A_729 = arith.constant 1 : i32
      %dma_start3A_730 = arith.constant 0 : i32
      %dma_start3A_731 = arith.constant 0 : i32
      %dma_start3A_732 = tpu.memref_slice %arg4[%arg1, %dma_start3A_729, %dma_start3A_730, %dma_start3A_731] : memref<16x2x200x64xf32, #tpu.memory_space<vmem_shared>> -> memref<1x1x200x64xf32, #tpu.memory_space<vmem_shared>>
      %dma_start3A_733 = tpu.memref_squeeze %dma_start3A_732 : memref<1x1x200x64xf32, #tpu.memory_space<vmem_shared>> -> memref<200x64xf32, #tpu.memory_space<vmem_shared>>
      %dma_start3A_734 = arith.constant 0 : i32
      %dma_start3A_735 = tpu.memref_slice %arg2[%multiple_of3A_728, %dma_start3A_734] : memref<100000x64xf32, #tpu.memory_space<hbm>> -> memref<200x64xf32, #tpu.memory_space<hbm>>
      tpu.enqueue_dma source(%dma_start3A_735 : memref<200x64xf32, #tpu.memory_space<hbm>>) target(%dma_start3A_733 : memref<200x64xf32, #tpu.memory_space<vmem_shared>>) target_semaphore(%arg6 : memref<!tpu.dma_semaphore, #tpu.memory_space<semaphore_mem>>)
      %add3A_736 = arith.constant 480 : i32
      %add3A_737 = arith.addi %add3A, %add3A_736 : i32
      %mul3A_738 = arith.constant 200 : i32
      %mul3A_739 = arith.muli %add3A_737, %mul3A_738 : i32
      %multiple_of3A_740 = tpu.assume_multiple %mul3A_739, 8 : i32
      %dma_wait3A_741 = arith.constant 1 : i32
      %dma_wait3A_742 = arith.constant 0 : i32
      %dma_wait3A_743 = arith.constant 0 : i32
      %dma_wait3A_744 = tpu.memref_slice %arg4[%arg1, %dma_wait3A_741, %dma_wait3A_742, %dma_wait3A_743] : memref<16x2x200x64xf32, #tpu.memory_space<vmem_shared>> -> memref<1x1x200x64xf32, #tpu.memory_space<vmem_shared>>
      %dma_wait3A_745 = tpu.memref_squeeze %dma_wait3A_744 : memref<1x1x200x64xf32, #tpu.memory_space<vmem_shared>> -> memref<200x64xf32, #tpu.memory_space<vmem_shared>>
      %dma_wait3A_746 = arith.constant 0 : i32
      %dma_wait3A_747 = tpu.memref_slice %arg2[%multiple_of3A_740, %dma_wait3A_746] : memref<100000x64xf32, #tpu.memory_space<hbm>> -> memref<200x64xf32, #tpu.memory_space<hbm>>
      tpu.wait_dma2 semaphore(%arg6 : memref<!tpu.dma_semaphore, #tpu.memory_space<semaphore_mem>>) src(%dma_wait3A_747 : memref<200x64xf32, #tpu.memory_space<hbm>>) dst(%dma_wait3A_745 : memref<200x64xf32, #tpu.memory_space<vmem_shared>>)
      %add3A_748 = arith.constant 480 : i32
      %add3A_749 = arith.addi %add3A, %add3A_748 : i32
      %mul3A_750 = arith.constant 200 : i32
      %mul3A_751 = arith.muli %add3A_749, %mul3A_750 : i32
      %multiple_of3A_752 = tpu.assume_multiple %mul3A_751, 8 : i32
      %dma_start3A_753 = arith.constant 1 : i32
      %dma_start3A_754 = arith.constant 0 : i32
      %dma_start3A_755 = tpu.memref_slice %arg3[%multiple_of3A_752, %dma_start3A_754] : memref<100000x64xf32, #tpu.memory_space<hbm>> -> memref<200x64xf32, #tpu.memory_space<hbm>>
      %dma_start3A_756 = arith.constant 0 : i32
      %dma_start3A_757 = arith.constant 0 : i32
      %dma_start3A_758 = tpu.memref_slice %arg4[%arg1, %dma_start3A_753, %dma_start3A_756, %dma_start3A_757] : memref<16x2x200x64xf32, #tpu.memory_space<vmem_shared>> -> memref<1x1x200x64xf32, #tpu.memory_space<vmem_shared>>
      %dma_start3A_759 = tpu.memref_squeeze %dma_start3A_758 : memref<1x1x200x64xf32, #tpu.memory_space<vmem_shared>> -> memref<200x64xf32, #tpu.memory_space<vmem_shared>>
      tpu.enqueue_dma source(%dma_start3A_759 : memref<200x64xf32, #tpu.memory_space<vmem_shared>>) target(%dma_start3A_755 : memref<200x64xf32, #tpu.memory_space<hbm>>) target_semaphore(%arg8 : memref<!tpu.dma_semaphore, #tpu.memory_space<semaphore_mem>>)
      %add3A_760 = arith.constant 480 : i32
      %add3A_761 = arith.addi %add3A, %add3A_760 : i32
      %mul3A_762 = arith.constant 200 : i32
      %mul3A_763 = arith.muli %add3A_761, %mul3A_762 : i32
      %multiple_of3A_764 = tpu.assume_multiple %mul3A_763, 8 : i32
      %dma_wait3A_765 = arith.constant 1 : i32
      %dma_wait3A_766 = arith.constant 0 : i32
      %dma_wait3A_767 = tpu.memref_slice %arg3[%multiple_of3A_764, %dma_wait3A_766] : memref<100000x64xf32, #tpu.memory_space<hbm>> -> memref<200x64xf32, #tpu.memory_space<hbm>>
      %dma_wait3A_768 = arith.constant 0 : i32
      %dma_wait3A_769 = arith.constant 0 : i32
      %dma_wait3A_770 = tpu.memref_slice %arg4[%arg1, %dma_wait3A_765, %dma_wait3A_768, %dma_wait3A_769] : memref<16x2x200x64xf32, #tpu.memory_space<vmem_shared>> -> memref<1x1x200x64xf32, #tpu.memory_space<vmem_shared>>
      %dma_wait3A_771 = tpu.memref_squeeze %dma_wait3A_770 : memref<1x1x200x64xf32, #tpu.memory_space<vmem_shared>> -> memref<200x64xf32, #tpu.memory_space<vmem_shared>>
      tpu.wait_dma2 semaphore(%arg8 : memref<!tpu.dma_semaphore, #tpu.memory_space<semaphore_mem>>) src(%dma_wait3A_771 : memref<200x64xf32, #tpu.memory_space<vmem_shared>>) dst(%dma_wait3A_767 : memref<200x64xf32, #tpu.memory_space<hbm>>)
    } else {
    }
    %ge3A = arith.constant 20 : i32
    %ge3A_696 = arith.cmpi sge, %add3A, %ge3A : i32
    %convert_element_type3A_697 = arith.extui %ge3A_696 : i1 to i32
    %cond3A_698 = arith.constant 0 : i32
    %cond3A_699 = arith.cmpi ne, %convert_element_type3A_697, %cond3A_698 : i32
    scf.if %cond3A_699 {
      %add3A_712 = arith.constant 416 : i32
      %add3A_713 = arith.addi %add3A, %add3A_712 : i32
      %mul3A_714 = arith.constant 200 : i32
      %mul3A_715 = arith.muli %add3A_713, %mul3A_714 : i32
      %multiple_of3A_716 = tpu.assume_multiple %mul3A_715, 8 : i32
      %dma_wait3A_717 = arith.constant 1 : i32
      %dma_wait3A_718 = arith.constant 0 : i32
      %dma_wait3A_719 = tpu.memref_slice %arg3[%multiple_of3A_716, %dma_wait3A_718] : memref<100000x64xf32, #tpu.memory_space<hbm>> -> memref<200x64xf32, #tpu.memory_space<hbm>>
      %dma_wait3A_720 = arith.constant 0 : i32
      %dma_wait3A_721 = arith.constant 0 : i32
      %dma_wait3A_722 = tpu.memref_slice %arg4[%arg1, %dma_wait3A_717, %dma_wait3A_720, %dma_wait3A_721] : memref<16x2x200x64xf32, #tpu.memory_space<vmem_shared>> -> memref<1x1x200x64xf32, #tpu.memory_space<vmem_shared>>
      %dma_wait3A_723 = tpu.memref_squeeze %dma_wait3A_722 : memref<1x1x200x64xf32, #tpu.memory_space<vmem_shared>> -> memref<200x64xf32, #tpu.memory_space<vmem_shared>>
      tpu.wait_dma2 semaphore(%arg8 : memref<!tpu.dma_semaphore, #tpu.memory_space<semaphore_mem>>) src(%dma_wait3A_723 : memref<200x64xf32, #tpu.memory_space<vmem_shared>>) dst(%dma_wait3A_719 : memref<200x64xf32, #tpu.memory_space<hbm>>)
    } else {
    }
    %add3A_700 = arith.constant 448 : i32
    %add3A_701 = arith.addi %add3A, %add3A_700 : i32
    %mul3A_702 = arith.constant 200 : i32
    %mul3A_703 = arith.muli %add3A_701, %mul3A_702 : i32
    %multiple_of3A_704 = tpu.assume_multiple %mul3A_703, 8 : i32
    %dma_wait3A_705 = arith.constant 0 : i32
    %dma_wait3A_706 = arith.constant 0 : i32
    %dma_wait3A_707 = tpu.memref_slice %arg3[%multiple_of3A_704, %dma_wait3A_706] : memref<100000x64xf32, #tpu.memory_space<hbm>> -> memref<200x64xf32, #tpu.memory_space<hbm>>
    %dma_wait3A_708 = arith.constant 0 : i32
    %dma_wait3A_709 = arith.constant 0 : i32
    %dma_wait3A_710 = tpu.memref_slice %arg4[%arg1, %dma_wait3A_705, %dma_wait3A_708, %dma_wait3A_709] : memref<16x2x200x64xf32, #tpu.memory_space<vmem_shared>> -> memref<1x1x200x64xf32, #tpu.memory_space<vmem_shared>>
    %dma_wait3A_711 = tpu.memref_squeeze %dma_wait3A_710 : memref<1x1x200x64xf32, #tpu.memory_space<vmem_shared>> -> memref<200x64xf32, #tpu.memory_space<vmem_shared>>
    tpu.wait_dma2 semaphore(%arg7 : memref<!tpu.dma_semaphore, #tpu.memory_space<semaphore_mem>>) src(%dma_wait3A_711 : memref<200x64xf32, #tpu.memory_space<vmem_shared>>) dst(%dma_wait3A_707 : memref<200x64xf32, #tpu.memory_space<hbm>>)
    return
  }
}

</mosaic_0001>

<sc_bundles>
// kernel: kernel.3.cloned.1.call-start
scs
__scs_entry_jumppad:
0x0: {  	(pc) =	sbr.rel $0x88, $3  }
0x1: {  	(tag) =	ssettag $0x0;
	lr =	simm.s32 $0x1  }
0x2: {  	[smem:$0x3FA0] =	sst lr;
	_ =	strace $0xD0000000  }
0x3: {  	_ = 	snop  }
0x4: {  	_ = 	snop  }
0x5: {  	_ = 	snop  }
0x6: {  	_ = 	snop  }
0x7: {  	_ = 	snop  }
__scs_overlays_trampoline_lowered:
0x8: {  	[smem:$0x3FAF] =	sst s0  }
0x9: {  	[smem:$0x3FB0] =	sst s1  }
0xa: {  	[smem:$0x3FB1] =	sst s2  }
0xb: {  	[smem:$0x3FB2] =	sst s3  }
0xc: {  	[smem:$0x3FB3] =	sst s4  }
0xd: {  	[smem:$0x3FB4] =	sst s5  }
0xe: {  	[smem:$0x3FB5] =	sst s6  }
0xf: {  	[smem:$0x3FB6] =	sst s7  }
0x10: {  	[smem:$0x3FB7] =	sst s8  }
0x11: {  	[smem:$0x3FB8] =	sst s9;
	s0 =	simm.s32 @!p0 $0x0  }
0x12: {  	s1 =	sld [smem:$0x3F9E];
	s0 =	simm.s32 @p0 $0x1  }
0x13: {  	[smem:$0x3FB9] =	sst s0;
	s0 =	simm.s32 @!p1 $0x0  }
0x14: {  	s2 =	sld [smem:$0x3F9D];
	s0 =	simm.s32 @p1 $0x1  }
0x15: {  	[smem:$0x3FBA] =	sst s0;
	s0 =	simm.s32 @!p2 $0x0  }
0x16: {  	s3 =	sld [smem:$0x3FDB];
	s0 =	simm.s32 @p2 $0x1  }
0x17: {  	s4 =	simm.s32 $0x1BF5;
	[smem:$0x3FBC] =	sst s0  }
0x18: {  	s0 =	sld [smem:$0x3F9F];
	_ =	swait.ge [sflag:s4], $0x0  }
0x19: {  	s7 =	sld [smem:$0x3FA0]  }
0x1a: {  	s8 =	sadd.s32 $0xFFFFE003, lr  }
0x1b: {  	s9 =	sadd.s32 $0xFFFFFEF7, lr;
	s5 =	simm.s32 $0xFFFFFFFF;
	p2 =	slt.u32 s8, $0xFFFFF086  }
0x1c: {  	p1 =	slt.u32 s9, $0xF7A;
	s5 =	simm.s32 @!p2 $0x0  }
0x1d: {  	s5 =	simm.s32 @p1 $0x1;
	p0 =	seq.s32 s7, s2  }
0x1e: {  	s7 =	smul.u32 @!p0 $0xF7A, s2;
	p2 =	seq.s32 @!p0 s5, $0x0  }
0x1f: {  	s9 =	smul.u32 $0xF7A, s1;
	s8 =	simm.s32 @!p0 $0x1BF5;
	p2 =	por !p2, p0  }
0x20: {  	[sflag:s8] =	ssyncset.s32 @!p0 $0xFFFFF086;
	s6 =	sadd.s32 @!p0 s3, s7;
	s7 =	simm.s32 @!p0 $0x108  }
0x21: {  	s3 =	sadd.s32 s3, s9;
	s6 =	sadd.s32 @!p0 $0x88, s6;
	s7 =	simm.s32 @p2 $0x1082  }
0x22: {  	[simem:s7], [sflag:s8] =	dma.local @!p0 [hbm:s6], $0xF7A  }
0x23: {  	s9 =	sor.u32 $0xD0000000, s2;
	s6 =	simm.s32 $0x108;
	_ =	swait.ge @!p0 [sflag:s8], $0x0  }
0x24: {  	s3 =	sadd.s32 $0x88, s3;
	s6 =	simm.s32 @!p1 $0x1082;
	[sflag:s4] =	ssyncset.s32 $0xFFFFF086  }
0x25: {  	[simem:s6], [sflag:s4] =	dma.local [hbm:s3], $0xF7A  }
0x26: {  	[smem:$0x3FA0] =	sst s1;
	(tag) =	ssettag s2;
	_ =	strace s9  }
0x27: {  	s1 =	sld [smem:$0x3FB0]  }
0x28: {  	s2 =	sld [smem:$0x3FB1]  }
0x29: {  	s4 =	sld [smem:$0x3FB3]  }
0x2a: {  	p0 =	seq.s32 s5, $0x0;
	s5 =	sld [smem:$0x3FB4]  }
0x2b: {  	s6 =	sld [smem:$0x3FB5]  }
0x2c: {  	s7 =	sld [smem:$0x3FB6]  }
0x2d: {  	s3 =	simm.s32 $0x108;
	s8 =	sld [smem:$0x3FB7]  }
0x2e: {  	s3 =	simm.s32 @!p0 $0x1082;
	s9 =	sld [smem:$0x3FB8]  }
0x2f: {  	lr =	sadd.s32 s0, s3;
	s0 =	sld [smem:$0x3FAF]  }
0x30: {  	s3 =	sld [smem:$0x3FB2]  }
0x31: {  	[smem:$0x3FBB] =	sst s10  }
0x32: {  	s10 =	sld [smem:$0x3FB9];
	_ =	sdelay $0x3  }
0x33: {  	p0 =	seq.s32 s10, $0x1;
	s10 =	sld [smem:$0x3FBB];
	_ =	sdelay $0x3  }
0x34: {  	[smem:$0x3FBB] =	sst s10  }
0x35: {  	s10 =	sld [smem:$0x3FBA];
	_ =	sdelay $0x3  }
0x36: {  	p1 =	seq.s32 s10, $0x1;
	s10 =	sld [smem:$0x3FBB];
	_ =	sdelay $0x3  }
0x37: {  	[smem:$0x3FBB] =	sst s10  }
0x38: {  	s10 =	sld [smem:$0x3FBC]  }
0x39: {  	_ = 	snop;
	(pc) =	sbr.ind lr, $3  }
0x3a: {  	_ = 	snop  }
0x3b: {  	_ = 	snop  }
0x3c: {  	p2 =	seq.s32 s10, $0x1;
	s10 =	sld [smem:$0x3FBB]  }
0x3d: {  	_ =	shalt  }
0x3e: {  	_ =	shalt  }
0x3f: {  	_ =	shalt  }
0x40: {  	_ =	shalt  }
0x41: {  	_ =	shalt  }
0x42: {  	_ =	shalt  }
0x43: {  	_ =	shalt  }
0x44: {  	_ =	shalt  }
0x45: {  	_ =	shalt  }
0x46: {  	_ =	shalt  }
0x47: {  	_ =	shalt  }
0x48: {  	_ =	shalt  }
0x49: {  	_ =	shalt  }
0x4a: {  	_ =	shalt  }
0x4b: {  	_ =	shalt  }
0x4c: {  	_ =	shalt  }
0x4d: {  	_ =	shalt  }
0x4e: {  	_ =	shalt  }
0x4f: {  	_ =	shalt  }
0x50: {  	_ =	shalt  }
0x51: {  	_ =	shalt  }
0x52: {  	_ =	shalt  }
0x53: {  	_ =	shalt  }
0x54: {  	_ =	shalt  }
0x55: {  	_ =	shalt  }
0x56: {  	_ =	shalt  }
0x57: {  	_ =	shalt  }
0x58: {  	_ =	shalt  }
0x59: {  	_ =	shalt  }
0x5a: {  	_ =	shalt  }
0x5b: {  	_ =	shalt  }
0x5c: {  	_ =	shalt  }
0x5d: {  	_ =	shalt  }
0x5e: {  	_ =	shalt  }
0x5f: {  	_ =	shalt  }
0x60: {  	_ =	shalt  }
0x61: {  	_ =	shalt  }
0x62: {  	_ =	shalt  }
0x63: {  	_ =	shalt  }
0x64: {  	_ =	shalt  }
0x65: {  	_ =	shalt  }
0x66: {  	_ =	shalt  }
0x67: {  	_ =	shalt  }
0x68: {  	_ =	shalt  }
0x69: {  	_ =	shalt  }
0x6a: {  	_ =	shalt  }
0x6b: {  	_ =	shalt  }
0x6c: {  	_ =	shalt  }
0x6d: {  	_ =	shalt  }
0x6e: {  	_ =	shalt  }
0x6f: {  	_ =	shalt  }
0x70: {  	_ =	shalt  }
0x71: {  	_ =	shalt  }
0x72: {  	_ =	shalt  }
0x73: {  	_ =	shalt  }
0x74: {  	_ =	shalt  }
0x75: {  	_ =	shalt  }
0x76: {  	_ =	shalt  }
0x77: {  	_ =	shalt  }
0x78: {  	_ =	shalt  }
0x79: {  	_ =	shalt  }
0x7a: {  	_ =	shalt  }
0x7b: {  	_ =	shalt  }
0x7c: {  	_ =	shalt  }
0x7d: {  	_ =	shalt  }
0x7e: {  	_ =	shalt  }
0x7f: {  	_ =	shalt  }
0x80: {  	_ =	shalt  }
0x81: {  	_ =	shalt  }
0x82: {  	_ =	shalt  }
0x83: {  	_ =	shalt  }
0x84: {  	_ =	shalt  }
0x85: {  	_ =	shalt  }
0x86: {  	_ =	shalt  }
0x87: {  	_ =	shalt  }
.Lfunc_end0:
.L_simem_size_0:
called_computation_lowered:
.L_overlay_start_0:
0x88: {  	s2 =	sld [smem:$0x3FD9]  }
0x89: {  	s3 =	sld [smem:$0x3FFE];
	_ =	sdelay $0x1  }
0x8a: {  	s1 =	srdreg.scid  }
0x8b: {  	s0 =	sand.u32 $0x1, s1  }
0x8c: {  	s16 =	sshll.u32 s0, $0xA;
	s2 =	sadd.s32 s3, s2  }
0x8d: {  	s2 =	sadd.s32 s2, s16  }
0x8e: {  	[smem:$0x3FC7] =	sst s2  }
0x8f: {  	_ = 	snop  }
0x90: {  	(tm) =	ssettm $0x1  }
0x91: {  	s17 =	sld [smem:$0x3FFB];
	_ =	sdelay $0x3  }
0x92: {  	_ =	strace s17  }
0x93: {  	s2 =	sld [smem:$0x3FFC];
	_ =	sdelay $0x3  }
0x94: {  	_ =	strace s2  }
0x95: {  	s2 =	sld [smem:$0x3FFD];
	_ =	sdelay $0x3  }
0x96: {  	_ =	strace s2  }
0x97: {  	_ =	strace $0x8FFFFFFF  }
0x98: {  	s18 =	sld [smem:$0x3FDB];
	_ =	sdelay $0x1  }
0x99: {  	s19 =	simm.s32 $_scs_section_size  }
0x9a: {  	s4 =	simm.s32 $_size__tile_overlayer_lowered;
	s5 =	simm.s32 $_tile_overlayer_lowered  }
0x9b: {  	s22 =	simm.s32 $0x1BFF;
	s21 =	sshll.u32 s5, $0x1;
	s2 =	sadd.s32 s19, s18  }
0x9c: {  	s6 =	simm.s32 $0x0;
	s20 =	sshll.u32 s4, $0x1;
	s4 =	sadd.s32 s21, s2  }
0x9d: {  	[timem:s6], [sflag:s22] =	dma.local [hbm:s4], s20  }
0x9e: {  	_ =	swait.ge [sflag:s22], s20  }
0x9f: {  	s3 =	ssub.s32 $0x0, s20;
	[sflag:s22] =	ssyncset.done $0x0  }
0xa0: {  	[sflag:s22] =	ssyncadd.s32 s3;
	_ =	sdelay $0x1  }
0xa1: {  	s23 =	simm.s32 $0x1B8B  }
0xa2: {  	_ =	swait.ge [sflag:s23], $0x1  }
0xa3: {  	[sflag:s23] =	ssyncset.done $0x0  }
0xa4: {  	s25 =	simm.s32 $0x1B8E;
	s24 =	sld [smem:$0x3FFE];
	[sflag:s23] =	ssyncadd.s32 $0xFFFFFFFF  }
0xa5: {  	s26 =	simm.s32 $execute0_lowered;
	[smem:$0x3FD2] =	sst s25  }
0xa6: {  	s4 =	sshll.u32 s26, $0x1;
	_ =	strace $0x80000046;
	[dreg:$0x1] =	wrdreg $0xFFFFFFFF  }
0xa7: {  	s28 =	simm.s32 $_size_execute0_lowered;
	s2 =	sadd.s32 s2, s4;
	[dreg:$0x0] =	wrdreg $0x0  }
0xa8: {  	s4 =	sshll.u32 s28, $0x1;
	[dreg:$0x2] =	wrdreg s2  }
0xa9: {  	[dreg:$0x3] =	wrdreg s4  }
0xaa: {  	[dreg:$0x4] =	wrdreg $0xC0  }
0xab: {  	_ =	task [dreg:s6], $0x5FFFF  }
0xac: {  	[dreg:$0x1] =	wrdreg $0xFFFFFFFF  }
0xad: {  	[dreg:$0x0] =	wrdreg $0x60  }
0xae: {  	[dreg:$0x2] =	wrdreg s24  }
0xaf: {  	[dreg:$0x3] =	wrdreg $0x0  }
0xb0: {  	[dreg:$0x4] =	wrdreg $0x9  }
0xb1: {  	_ =	task.clear_ibuf [dreg:s6], $0x5FFFF;
	_ =	strace $0x90000046  }
0xb2: {  	s29 =	simm.s32 $0x9;
	_ =	strace $0x80000048  }
0xb3: {  	_ =	swait.ge [sflag:s29], $0x1  }
0xb4: {  	[sflag:s29] =	ssyncadd.s32 $0xFFFFFFFF  }
0xb5: {  	_ =	strace $0x90000048  }
0xb6: {  	_ =	sfence  }
0xb7: {  	s30 =	sld [smem:$0x0];
	_ =	sdelay $0x2  }
0xb8: {  	s31 =	sshll.u32 s1, $0xD;
	s1 =	sshrl.u32 s1, $0x2  }
0xb9: {  	s3 =	sand.u32 $0x4000, s31;
	s1 =	sadd.s32 s1, s30  }
0xba: {  	s0 =	sor.u32 s3, s0;
	s1 =	sshll.u32 s1, $0x11  }
0xbb: {  	s0 =	sor.u32 s1, s0  }
0xbc: {  	s0 =	sadd.s32 $0x8F2B, s0  }
0xbd: {  	[sflag:s0] =	ssyncadd.remote.s32 $0x1  }
0xbe: {  	_ =	sfence.sel $0xFFFF  }
0xbf: {  	[dreg:$0x0] =	wrdreg $0xFFFFFFFF;
	(pc) =	sbr.abs _section_cstart, $3  }
0xc0: {  	[dreg:$0x1] =	wrdreg $0xFFFFFFFF  }
0xc1: {  	_ =	task.clear_ibuf [dreg:s6], $0x2FFFF;
	_ =	strace $0x9FFFFFFF  }
0xc2: {  	(tm) =	ssettm $0x7FFFFFFF  }
0xc3: {  	_ =	shalt  }
tec
execute0_lowered:
.L_overlay_start_1:
0x0: {  	(tag) =	ssettag $0x1  }
0x1: {  	s0 =	rddreg [dreg:$0x0];
	s1 =	srdreg.scid  }
0x2: {  	s26 =	stileid.u32;
	s2 =	rddreg [dreg:$0x1]  }
0x3: {  	s28 =	rddreg [dreg:$0x2];
	s4 =	sand.u32 $0x1, s1;
	s10 =	sshll.u32 s26, $0x1  }
0x4: {  	s3 =	simm.s32 $0x0;
	s19 =	smul.u32 $0x32000, s26;
	s1 =	sor.u32 s4, s10  }
0x5: {  	p1 =	por $0x0, $0x0;
	[smem:$0x7FF] =	sst s3;
	s5 =	smul.u32 $0xC80, s1  }
0x6: {  	s3 =	sadd.s32 $0x186E00, s0;
	s6 =	smul.u32 $0x6400, s1;
	s1 =	sadd.s32 $0x400, s0  }
0x7: {  	_ =	strace $0x80000047;
	s11 =	ssub.s32 $0x2, s4;
	s7 =	sadd.s32 s1, s5  }
0x8: {  	s4 =	sshrl.u32 s6, $0x3;
	s5 =	sadd.s32 s3, s5;
	[dreg:$0x3] =	wrdreg s7  }
0x9: {  	p0 =	sgt.u32 s26, $0x9;
	s6 =	sadd.s32 $0x19000, s4;
	[dreg:$0x4] =	wrdreg s5  }
0xa: {  	s12 =	sshrl.u32 s11, $0x1;
	s13 =	sadd.s32 s1, s6;
	s0 =	rddreg [dreg:$0x3]  }
0xb: {  	s15 =	sadd.s32 $0x32000, s4;
	s14 =	sadd.s32 s3, s6;
	[dreg:$0x5] =	wrdreg s13  }
0xc: {  	s9 =	ssub.s32 s11, s12;
	s16 =	sadd.s32 s1, s15;
	[dreg:$0x6] =	wrdreg s14  }
0xd: {  	s18 =	sadd.s32 $0x4B000, s4;
	s17 =	sadd.s32 s3, s15;
	[dreg:$0x7] =	wrdreg s16  }
0xe: {  	s22 =	sadd.s32 $0x64000, s4;
	s20 =	sadd.s32 s1, s18;
	[dreg:$0x8] =	wrdreg s17  }
0xf: {  	s25 =	sadd.s32 $0x7D000, s4;
	s21 =	sadd.s32 s3, s18;
	[dreg:$0x9] =	wrdreg s20  }
0x10: {  	s31 =	sadd.s32 $0x96000, s4;
	s23 =	sadd.s32 s1, s22;
	[dreg:$0xa] =	wrdreg s21  }
0x11: {  	s7 =	sadd.s32 $0xAF000, s4;
	s24 =	sadd.s32 s3, s22;
	[dreg:$0xb] =	wrdreg s23  }
0x12: {  	s11 =	sadd.s32 $0xC8000, s4;
	s29 =	sadd.s32 s1, s25;
	[dreg:$0xc] =	wrdreg s24  }
0x13: {  	s6 =	sshrl.u32 s19, $0x2;
	s30 =	sadd.s32 s3, s25;
	[dreg:$0xd] =	wrdreg s29  }
0x14: {  	s5 =	sadd.s32 s1, s31;
	s8 =	sadd.s32 s1, s7;
	[dreg:$0xe] =	wrdreg s30  }
0x15: {  	s10 =	sadd.s32 s3, s7;
	s12 =	sadd.s32 s1, s11;
	[dreg:$0xf] =	wrdreg s5  }
0x16: {  	s25 =	sadd.s32 $0x12C000, s4;
	s15 =	sadd.s32 s6, s2;
	[dreg:$0x11] =	wrdreg s8  }
0x17: {  	s23 =	sshll.u32 s26, $0x6;
	s6 =	sadd.s32 s3, s31;
	[dreg:$0x12] =	wrdreg s10  }
0x18: {  	[dreg:$0x13] =	wrdreg s12;
	s13 =	sadd.s32 s3, s11;
	s14 =	sadd.s32 $0xE1000, s4  }
0x19: {  	s16 =	sadd.s32 $0xFA000, s4;
	s17 =	sadd.s32 $0x113000, s4;
	s29 =	sadd.s32 $0x145000, s4  }
0x1a: {  	s30 =	sadd.s32 $0x15E000, s4;
	s4 =	sadd.s32 $0x177000, s4;
	s31 =	smax.u32 s9, $0x1  }
0x1b: {  	s22 =	sadd.s32 s1, s14;
	s21 =	sadd.s32 s3, s14;
	s20 =	sadd.s32 s1, s16  }
0x1c: {  	s18 =	sadd.s32 s1, s17;
	s14 =	sadd.s32 s1, s25;
	s12 =	sadd.s32 s1, s29  }
0x1d: {  	s7 =	sadd.s32 s1, s30;
	s5 =	sadd.s32 s1, s4;
	s1 =	sadd.s32 $0xFFFFFFFF, s31  }
0x1e: {  	s10 =	simm.s32 $0x1;
	s11 =	simm.s32 $0x4;
	p2 =	sne.s32 s1, $0x0  }
.Ltmp0:
0x1f: {  	s2 =	sor.u32 $0x1C01, s23;
	[dreg:$0x10] =	wrdreg s6;
	(pc) =	sbr.rel @!p2 .LBB2_5-.Ltmp0, $4  }
0x20: {  	s24 =	sadd.s32 $0x6400, s15;
	[dreg:$0x14] =	wrdreg s13;
	s19 =	sadd.s32 s3, s16  }
0x21: {  	s16 =	sadd.s32 s3, s17;
	s13 =	sadd.s32 s3, s25;
	s8 =	sadd.s32 s3, s29  }
0x22: {  	s6 =	sadd.s32 s3, s30;
	s4 =	sadd.s32 s3, s4;
	s17 =	simm.s32 $0x2  }
0x23: {  	s3 =	simm.s32 $0x3;
	s15 =	sshrl.u32 s15, $0x3;
	s9 =	sshrl.u32 @!p0 s24, $0x3  }
0x24: {  	[spmem:s15], [sflag:s2] =	dma.local [hbm:s0], $0xC80  }
0x25: {  	_ =	swait.ge [sflag:s10], $0xC80  }
0x26: {  	[sflag:s10] =	ssyncset.done $0x0  }
0x27: {  	s25 =	sor.u32 $0x1C03, s23;
	s26 =	rddreg [dreg:$0x4];
	[sflag:s10] =	ssyncadd.s32 $0xFFFFF380  }
0x28: {  	[hbm:s26], [sflag:s25] =	dma.local [spmem:s15], $0xC80  }
0x29: {  	s28 =	sshrl.u32 s24, $0x3;
	s26 =	sor.u32 $0x1C02, s23;
	s0 =	rddreg [dreg:$0x5]  }
0x2a: {  	[spmem:s28], [sflag:s26] =	dma.local [hbm:s0], $0xC80  }
0x2b: {  	_ =	swait.ge [sflag:s17], $0xC80  }
0x2c: {  	[sflag:s17] =	ssyncset.done $0x0  }
0x2d: {  	s29 =	sor.u32 $0x1C04, s23;
	s0 =	rddreg [dreg:$0x6];
	[sflag:s17] =	ssyncadd.s32 $0xFFFFF380  }
0x2e: {  	[hbm:s0], [sflag:s29] =	dma.local [spmem:s28], $0xC80  }
0x2f: {  	_ =	swait.ge [sflag:s3], $0xC80  }
0x30: {  	[sflag:s3] =	ssyncset.done $0x0  }
0x31: {  	s0 =	rddreg [dreg:$0x7];
	[sflag:s3] =	ssyncadd.s32 $0xFFFFF380  }
0x32: {  	[spmem:s15], [sflag:s2] =	dma.local [hbm:s0], $0xC80  }
0x33: {  	_ =	swait.ge [sflag:s10], $0xC80  }
0x34: {  	[sflag:s10] =	ssyncset.done $0x0  }
0x35: {  	s0 =	rddreg [dreg:$0x8];
	[sflag:s10] =	ssyncadd.s32 $0xFFFFF380  }
0x36: {  	[hbm:s0], [sflag:s25] =	dma.local [spmem:s15], $0xC80  }
0x37: {  	_ =	swait.ge [sflag:s11], $0xC80  }
0x38: {  	[sflag:s11] =	ssyncset.done $0x0  }
0x39: {  	s0 =	rddreg [dreg:$0x9];
	[sflag:s11] =	ssyncadd.s32 $0xFFFFF380  }
0x3a: {  	[spmem:s28], [sflag:s26] =	dma.local [hbm:s0], $0xC80  }
0x3b: {  	_ =	swait.ge [sflag:s17], $0xC80  }
0x3c: {  	[sflag:s17] =	ssyncset.done $0x0  }
0x3d: {  	s0 =	rddreg [dreg:$0xa];
	[sflag:s17] =	ssyncadd.s32 $0xFFFFF380  }
0x3e: {  	[hbm:s0], [sflag:s29] =	dma.local [spmem:s28], $0xC80  }
0x3f: {  	_ =	swait.ge [sflag:s3], $0xC80  }
0x40: {  	[sflag:s3] =	ssyncset.done $0x0  }
0x41: {  	s0 =	rddreg [dreg:$0xb];
	[sflag:s3] =	ssyncadd.s32 $0xFFFFF380  }
0x42: {  	[spmem:s15], [sflag:s2] =	dma.local [hbm:s0], $0xC80  }
0x43: {  	_ =	swait.ge [sflag:s10], $0xC80  }
0x44: {  	[sflag:s10] =	ssyncset.done $0x0  }
0x45: {  	s0 =	rddreg [dreg:$0xc];
	[sflag:s10] =	ssyncadd.s32 $0xFFFFF380  }
0x46: {  	[hbm:s0], [sflag:s25] =	dma.local [spmem:s15], $0xC80  }
0x47: {  	_ =	swait.ge [sflag:s11], $0xC80  }
0x48: {  	[sflag:s11] =	ssyncset.done $0x0  }
0x49: {  	s0 =	rddreg [dreg:$0xd];
	[sflag:s11] =	ssyncadd.s32 $0xFFFFF380  }
0x4a: {  	[spmem:s28], [sflag:s26] =	dma.local [hbm:s0], $0xC80  }
0x4b: {  	_ =	swait.ge [sflag:s17], $0xC80  }
0x4c: {  	[sflag:s17] =	ssyncset.done $0x0  }
0x4d: {  	s0 =	rddreg [dreg:$0xe];
	[sflag:s17] =	ssyncadd.s32 $0xFFFFF380  }
0x4e: {  	[hbm:s0], [sflag:s29] =	dma.local [spmem:s28], $0xC80  }
0x4f: {  	_ =	swait.ge [sflag:s3], $0xC80  }
0x50: {  	[sflag:s3] =	ssyncset.done $0x0  }
0x51: {  	s0 =	rddreg [dreg:$0xf];
	[sflag:s3] =	ssyncadd.s32 $0xFFFFF380  }
0x52: {  	[spmem:s15], [sflag:s2] =	dma.local [hbm:s0], $0xC80  }
0x53: {  	_ =	swait.ge [sflag:s10], $0xC80  }
0x54: {  	[sflag:s10] =	ssyncset.done $0x0  }
0x55: {  	s0 =	rddreg [dreg:$0x10];
	[sflag:s10] =	ssyncadd.s32 $0xFFFFF380  }
0x56: {  	[hbm:s0], [sflag:s25] =	dma.local [spmem:s15], $0xC80  }
0x57: {  	_ =	swait.ge [sflag:s11], $0xC80  }
0x58: {  	[sflag:s11] =	ssyncset.done $0x0  }
0x59: {  	s0 =	rddreg [dreg:$0x11];
	[sflag:s11] =	ssyncadd.s32 $0xFFFFF380  }
0x5a: {  	[spmem:s28], [sflag:s26] =	dma.local [hbm:s0], $0xC80  }
0x5b: {  	_ =	swait.ge [sflag:s17], $0xC80  }
0x5c: {  	[sflag:s17] =	ssyncset.done $0x0  }
0x5d: {  	s0 =	rddreg [dreg:$0x12];
	[sflag:s17] =	ssyncadd.s32 $0xFFFFF380  }
0x5e: {  	[hbm:s0], [sflag:s29] =	dma.local [spmem:s28], $0xC80  }
0x5f: {  	_ =	swait.ge [sflag:s3], $0xC80  }
0x60: {  	[sflag:s3] =	ssyncset.done $0x0  }
0x61: {  	s0 =	rddreg [dreg:$0x13];
	[sflag:s3] =	ssyncadd.s32 $0xFFFFF380  }
0x62: {  	[spmem:s15], [sflag:s2] =	dma.local [hbm:s0], $0xC80  }
0x63: {  	_ =	swait.ge [sflag:s10], $0xC80  }
0x64: {  	[sflag:s10] =	ssyncset.done $0x0  }
0x65: {  	s0 =	rddreg [dreg:$0x14];
	[sflag:s10] =	ssyncadd.s32 $0xFFFFF380  }
0x66: {  	[hbm:s0], [sflag:s25] =	dma.local [spmem:s15], $0xC80  }
0x67: {  	_ =	swait.ge [sflag:s11], $0xC80  }
0x68: {  	[sflag:s11] =	ssyncset.done $0x0  }
0x69: {  	[sflag:s11] =	ssyncadd.s32 $0xFFFFF380  }
0x6a: {  	[spmem:s28], [sflag:s26] =	dma.local [hbm:s22], $0xC80  }
0x6b: {  	_ =	swait.ge [sflag:s17], $0xC80  }
0x6c: {  	[sflag:s17] =	ssyncset.done $0x0  }
0x6d: {  	[sflag:s17] =	ssyncadd.s32 $0xFFFFF380  }
0x6e: {  	[hbm:s21], [sflag:s29] =	dma.local [spmem:s28], $0xC80  }
0x6f: {  	_ =	swait.ge [sflag:s3], $0xC80  }
0x70: {  	[sflag:s3] =	ssyncset.done $0x0  }
0x71: {  	[sflag:s3] =	ssyncadd.s32 $0xFFFFF380  }
0x72: {  	[spmem:s15], [sflag:s2] =	dma.local [hbm:s20], $0xC80  }
0x73: {  	_ =	swait.ge [sflag:s10], $0xC80  }
0x74: {  	[sflag:s10] =	ssyncset.done $0x0  }
0x75: {  	[sflag:s10] =	ssyncadd.s32 $0xFFFFF380  }
0x76: {  	[hbm:s19], [sflag:s25] =	dma.local [spmem:s15], $0xC80  }
0x77: {  	_ =	swait.ge [sflag:s11], $0xC80  }
0x78: {  	[sflag:s11] =	ssyncset.done $0x0  }
0x79: {  	[sflag:s11] =	ssyncadd.s32 $0xFFFFF380  }
0x7a: {  	[spmem:s28], [sflag:s26] =	dma.local [hbm:s18], $0xC80  }
0x7b: {  	_ =	swait.ge [sflag:s17], $0xC80  }
0x7c: {  	[sflag:s17] =	ssyncset.done $0x0  }
0x7d: {  	[sflag:s17] =	ssyncadd.s32 $0xFFFFF380  }
0x7e: {  	[hbm:s16], [sflag:s29] =	dma.local [spmem:s28], $0xC80  }
0x7f: {  	_ =	swait.ge [sflag:s3], $0xC80  }
0x80: {  	[sflag:s3] =	ssyncset.done $0x0  }
0x81: {  	[sflag:s3] =	ssyncadd.s32 $0xFFFFF380  }
0x82: {  	[spmem:s15], [sflag:s2] =	dma.local [hbm:s14], $0xC80  }
0x83: {  	_ =	swait.ge [sflag:s10], $0xC80  }
0x84: {  	[sflag:s10] =	ssyncset.done $0x0  }
0x85: {  	[sflag:s10] =	ssyncadd.s32 $0xFFFFF380  }
0x86: {  	[hbm:s13], [sflag:s25] =	dma.local [spmem:s15], $0xC80  }
0x87: {  	_ =	swait.ge [sflag:s11], $0xC80  }
0x88: {  	[sflag:s11] =	ssyncset.done $0x0  }
0x89: {  	[sflag:s11] =	ssyncadd.s32 $0xFFFFF380  }
0x8a: {  	[spmem:s28], [sflag:s26] =	dma.local [hbm:s12], $0xC80  }
0x8b: {  	_ =	swait.ge [sflag:s17], $0xC80  }
0x8c: {  	[sflag:s17] =	ssyncset.done $0x0  }
0x8d: {  	[sflag:s17] =	ssyncadd.s32 $0xFFFFF380  }
0x8e: {  	[hbm:s8], [sflag:s29] =	dma.local [spmem:s28], $0xC80  }
0x8f: {  	_ =	swait.ge [sflag:s3], $0xC80  }
0x90: {  	[sflag:s3] =	ssyncset.done $0x0  }
0x91: {  	[sflag:s3] =	ssyncadd.s32 $0xFFFFF380  }
0x92: {  	[spmem:s15], [sflag:s2] =	dma.local [hbm:s7], $0xC80  }
0x93: {  	_ =	swait.ge [sflag:s10], $0xC80  }
0x94: {  	[sflag:s10] =	ssyncset.done $0x0  }
0x95: {  	[sflag:s10] =	ssyncadd.s32 $0xFFFFF380  }
0x96: {  	[hbm:s6], [sflag:s25] =	dma.local [spmem:s15], $0xC80  }
0x97: {  	_ =	swait.ge [sflag:s11], $0xC80  }
0x98: {  	[sflag:s11] =	ssyncset.done $0x0  }
0x99: {  	s30 =	simm.s32 @!p0 $0x2;
	[sflag:s11] =	ssyncadd.s32 $0xFFFFF380  }
0x9a: {  	[spmem:s9], [sflag:s26] =	dma.local @!p0 [hbm:s5], $0xC80  }
0x9b: {  	_ =	swait.ge @!p0 [sflag:s30], $0xC80  }
0x9c: {  	s1 =	sadd.s32 $0xFFFFFFFF, s1;
	[sflag:s30] =	ssyncset.done @!p0 $0x0  }
0x9d: {  	s31 =	simm.s32 @!p0 $0x4;
	p2 =	sne.s32 s1, $0x0;
	[sflag:s30] =	ssyncadd.s32 @!p0 $0xFFFFF380  }
0x9e: {  	[hbm:s4], [sflag:s29] =	dma.local @!p0 [spmem:s9], $0xC80  }
.Ltmp1:
0x9f: {  	_ =	swait.ge @!p0 [sflag:s31], $0xC80;
	(pc) =	sbr.rel @!p2 .LBB2_2-.Ltmp1, $4  }
0xa0: {  	[sflag:s31] =	ssyncset.done @!p0 $0x0  }
0xa1: {  	[sflag:s31] =	ssyncadd.s32 @!p0 $0xFFFFF380  }
0xa2: {  	_ =	swait.ge [sflag:s3], $0xC80  }
0xa3: {  	p1 =	por $0x1, $0x1;
	s0 =	rddreg [dreg:$0x3];
	[sflag:s3] =	ssyncset.done $0x0  }
.LBB2_3:
0xa4: {  	[sflag:s3] =	ssyncadd.s32 $0xFFFFF380  }
0xa5: {  	[spmem:s15], [sflag:s2] =	dma.local [hbm:s0], $0xC80  }
0xa6: {  	_ =	swait.ge [sflag:s10], $0xC80  }
0xa7: {  	[sflag:s10] =	ssyncset.done $0x0  }
0xa8: {  	s0 =	rddreg [dreg:$0x4];
	[sflag:s10] =	ssyncadd.s32 $0xFFFFF380  }
0xa9: {  	[hbm:s0], [sflag:s25] =	dma.local [spmem:s15], $0xC80  }
0xaa: {  	s0 =	rddreg [dreg:$0x5]  }
0xab: {  	[spmem:s28], [sflag:s26] =	dma.local [hbm:s0], $0xC80  }
0xac: {  	_ =	swait.ge [sflag:s17], $0xC80  }
0xad: {  	[sflag:s17] =	ssyncset.done $0x0  }
0xae: {  	s0 =	rddreg [dreg:$0x6];
	[sflag:s17] =	ssyncadd.s32 $0xFFFFF380  }
0xaf: {  	[hbm:s0], [sflag:s29] =	dma.local [spmem:s28], $0xC80  }
0xb0: {  	_ =	swait.ge [sflag:s3], $0xC80  }
0xb1: {  	[sflag:s3] =	ssyncset.done $0x0  }
0xb2: {  	s0 =	rddreg [dreg:$0x7];
	[sflag:s3] =	ssyncadd.s32 $0xFFFFF380  }
0xb3: {  	[spmem:s15], [sflag:s2] =	dma.local [hbm:s0], $0xC80  }
0xb4: {  	_ =	swait.ge [sflag:s10], $0xC80  }
0xb5: {  	[sflag:s10] =	ssyncset.done $0x0  }
0xb6: {  	s0 =	rddreg [dreg:$0x8];
	[sflag:s10] =	ssyncadd.s32 $0xFFFFF380  }
0xb7: {  	[hbm:s0], [sflag:s25] =	dma.local [spmem:s15], $0xC80  }
0xb8: {  	_ =	swait.ge [sflag:s11], $0xC80  }
0xb9: {  	[sflag:s11] =	ssyncset.done $0x0  }
0xba: {  	s0 =	rddreg [dreg:$0x9];
	[sflag:s11] =	ssyncadd.s32 $0xFFFFF380  }
0xbb: {  	[spmem:s28], [sflag:s26] =	dma.local [hbm:s0], $0xC80  }
0xbc: {  	_ =	swait.ge [sflag:s17], $0xC80  }
0xbd: {  	[sflag:s17] =	ssyncset.done $0x0  }
0xbe: {  	s0 =	rddreg [dreg:$0xa];
	[sflag:s17] =	ssyncadd.s32 $0xFFFFF380  }
0xbf: {  	[hbm:s0], [sflag:s29] =	dma.local [spmem:s28], $0xC80  }
0xc0: {  	_ =	swait.ge [sflag:s3], $0xC80  }
0xc1: {  	[sflag:s3] =	ssyncset.done $0x0  }
0xc2: {  	s0 =	rddreg [dreg:$0xb];
	[sflag:s3] =	ssyncadd.s32 $0xFFFFF380  }
0xc3: {  	[spmem:s15], [sflag:s2] =	dma.local [hbm:s0], $0xC80  }
0xc4: {  	_ =	swait.ge [sflag:s10], $0xC80  }
0xc5: {  	[sflag:s10] =	ssyncset.done $0x0  }
0xc6: {  	s0 =	rddreg [dreg:$0xc];
	[sflag:s10] =	ssyncadd.s32 $0xFFFFF380  }
0xc7: {  	[hbm:s0], [sflag:s25] =	dma.local [spmem:s15], $0xC80  }
0xc8: {  	_ =	swait.ge [sflag:s11], $0xC80  }
0xc9: {  	[sflag:s11] =	ssyncset.done $0x0  }
0xca: {  	s0 =	rddreg [dreg:$0xd];
	[sflag:s11] =	ssyncadd.s32 $0xFFFFF380  }
0xcb: {  	[spmem:s28], [sflag:s26] =	dma.local [hbm:s0], $0xC80  }
0xcc: {  	_ =	swait.ge [sflag:s17], $0xC80  }
0xcd: {  	[sflag:s17] =	ssyncset.done $0x0  }
0xce: {  	s0 =	rddreg [dreg:$0xe];
	[sflag:s17] =	ssyncadd.s32 $0xFFFFF380  }
0xcf: {  	[hbm:s0], [sflag:s29] =	dma.local [spmem:s28], $0xC80  }
0xd0: {  	_ =	swait.ge [sflag:s3], $0xC80  }
0xd1: {  	[sflag:s3] =	ssyncset.done $0x0  }
0xd2: {  	s0 =	rddreg [dreg:$0xf];
	[sflag:s3] =	ssyncadd.s32 $0xFFFFF380  }
0xd3: {  	[spmem:s15], [sflag:s2] =	dma.local [hbm:s0], $0xC80  }
0xd4: {  	_ =	swait.ge [sflag:s10], $0xC80  }
0xd5: {  	[sflag:s10] =	ssyncset.done $0x0  }
0xd6: {  	s0 =	rddreg [dreg:$0x10];
	[sflag:s10] =	ssyncadd.s32 $0xFFFFF380  }
0xd7: {  	[hbm:s0], [sflag:s25] =	dma.local [spmem:s15], $0xC80  }
0xd8: {  	_ =	swait.ge [sflag:s11], $0xC80  }
0xd9: {  	[sflag:s11] =	ssyncset.done $0x0  }
0xda: {  	s0 =	rddreg [dreg:$0x11];
	[sflag:s11] =	ssyncadd.s32 $0xFFFFF380  }
0xdb: {  	[spmem:s28], [sflag:s26] =	dma.local [hbm:s0], $0xC80  }
0xdc: {  	_ =	swait.ge [sflag:s17], $0xC80  }
0xdd: {  	[sflag:s17] =	ssyncset.done $0x0  }
0xde: {  	s0 =	rddreg [dreg:$0x12];
	[sflag:s17] =	ssyncadd.s32 $0xFFFFF380  }
0xdf: {  	[hbm:s0], [sflag:s29] =	dma.local [spmem:s28], $0xC80  }
0xe0: {  	_ =	swait.ge [sflag:s3], $0xC80  }
0xe1: {  	[sflag:s3] =	ssyncset.done $0x0  }
0xe2: {  	s0 =	rddreg [dreg:$0x13];
	[sflag:s3] =	ssyncadd.s32 $0xFFFFF380  }
0xe3: {  	[spmem:s15], [sflag:s2] =	dma.local [hbm:s0], $0xC80  }
0xe4: {  	_ =	swait.ge [sflag:s10], $0xC80  }
0xe5: {  	[sflag:s10] =	ssyncset.done $0x0  }
0xe6: {  	s0 =	rddreg [dreg:$0x14];
	[sflag:s10] =	ssyncadd.s32 $0xFFFFF380  }
0xe7: {  	[hbm:s0], [sflag:s25] =	dma.local [spmem:s15], $0xC80  }
0xe8: {  	_ =	swait.ge [sflag:s11], $0xC80  }
0xe9: {  	[sflag:s11] =	ssyncset.done $0x0  }
0xea: {  	[sflag:s11] =	ssyncadd.s32 $0xFFFFF380  }
0xeb: {  	[spmem:s28], [sflag:s26] =	dma.local [hbm:s22], $0xC80  }
0xec: {  	_ =	swait.ge [sflag:s17], $0xC80  }
0xed: {  	[sflag:s17] =	ssyncset.done $0x0  }
0xee: {  	[sflag:s17] =	ssyncadd.s32 $0xFFFFF380  }
0xef: {  	[hbm:s21], [sflag:s29] =	dma.local [spmem:s28], $0xC80  }
0xf0: {  	_ =	swait.ge [sflag:s3], $0xC80  }
0xf1: {  	[sflag:s3] =	ssyncset.done $0x0  }
0xf2: {  	[sflag:s3] =	ssyncadd.s32 $0xFFFFF380  }
0xf3: {  	[spmem:s15], [sflag:s2] =	dma.local [hbm:s20], $0xC80  }
0xf4: {  	_ =	swait.ge [sflag:s10], $0xC80  }
0xf5: {  	[sflag:s10] =	ssyncset.done $0x0  }
0xf6: {  	[sflag:s10] =	ssyncadd.s32 $0xFFFFF380  }
0xf7: {  	[hbm:s19], [sflag:s25] =	dma.local [spmem:s15], $0xC80  }
0xf8: {  	_ =	swait.ge [sflag:s11], $0xC80  }
0xf9: {  	[sflag:s11] =	ssyncset.done $0x0  }
0xfa: {  	[sflag:s11] =	ssyncadd.s32 $0xFFFFF380  }
0xfb: {  	[spmem:s28], [sflag:s26] =	dma.local [hbm:s18], $0xC80  }
0xfc: {  	_ =	swait.ge [sflag:s17], $0xC80  }
0xfd: {  	[sflag:s17] =	ssyncset.done $0x0  }
0xfe: {  	[sflag:s17] =	ssyncadd.s32 $0xFFFFF380  }
0xff: {  	[hbm:s16], [sflag:s29] =	dma.local [spmem:s28], $0xC80  }
0x100: {  	_ =	swait.ge [sflag:s3], $0xC80  }
0x101: {  	[sflag:s3] =	ssyncset.done $0x0  }
0x102: {  	[sflag:s3] =	ssyncadd.s32 $0xFFFFF380  }
0x103: {  	[spmem:s15], [sflag:s2] =	dma.local [hbm:s14], $0xC80  }
0x104: {  	_ =	swait.ge [sflag:s10], $0xC80  }
0x105: {  	[sflag:s10] =	ssyncset.done $0x0  }
0x106: {  	[sflag:s10] =	ssyncadd.s32 $0xFFFFF380  }
0x107: {  	[hbm:s13], [sflag:s25] =	dma.local [spmem:s15], $0xC80  }
0x108: {  	_ =	swait.ge [sflag:s11], $0xC80  }
0x109: {  	[sflag:s11] =	ssyncset.done $0x0  }
0x10a: {  	[sflag:s11] =	ssyncadd.s32 $0xFFFFF380  }
0x10b: {  	[spmem:s28], [sflag:s26] =	dma.local [hbm:s12], $0xC80  }
0x10c: {  	_ =	swait.ge [sflag:s17], $0xC80  }
0x10d: {  	[sflag:s17] =	ssyncset.done $0x0  }
0x10e: {  	[sflag:s17] =	ssyncadd.s32 $0xFFFFF380  }
0x10f: {  	[hbm:s8], [sflag:s29] =	dma.local [spmem:s28], $0xC80  }
0x110: {  	_ =	swait.ge [sflag:s3], $0xC80  }
0x111: {  	[sflag:s3] =	ssyncset.done $0x0  }
0x112: {  	[sflag:s3] =	ssyncadd.s32 $0xFFFFF380  }
0x113: {  	[spmem:s15], [sflag:s2] =	dma.local [hbm:s7], $0xC80  }
0x114: {  	_ =	swait.ge [sflag:s10], $0xC80  }
0x115: {  	[sflag:s10] =	ssyncset.done $0x0  }
0x116: {  	[sflag:s10] =	ssyncadd.s32 $0xFFFFF380  }
0x117: {  	[hbm:s6], [sflag:s25] =	dma.local [spmem:s15], $0xC80  }
0x118: {  	_ =	swait.ge [sflag:s11], $0xC80  }
0x119: {  	[sflag:s11] =	ssyncset.done $0x0  }
0x11a: {  	[sflag:s11] =	ssyncadd.s32 $0xFFFFF380  }
0x11b: {  	[spmem:s9], [sflag:s26] =	dma.local @!p0 [hbm:s5], $0xC80  }
0x11c: {  	_ =	swait.ge @!p0 [sflag:s30], $0xC80  }
0x11d: {  	s1 =	sadd.s32 $0xFFFFFFFF, s1;
	[sflag:s30] =	ssyncset.done @!p0 $0x0  }
0x11e: {  	p2 =	sne.s32 s1, $0x0;
	[sflag:s30] =	ssyncadd.s32 @!p0 $0xFFFFF380  }
0x11f: {  	[hbm:s4], [sflag:s29] =	dma.local @!p0 [spmem:s9], $0xC80  }
.Ltmp2:
0x120: {  	_ =	swait.ge @!p0 [sflag:s31], $0xC80;
	(pc) =	sbr.rel @p2 .LBB2_3-.Ltmp2, $4  }
0x121: {  	[sflag:s31] =	ssyncset.done @!p0 $0x0  }
0x122: {  	[sflag:s31] =	ssyncadd.s32 @!p0 $0xFFFFF380  }
0x123: {  	_ =	swait.ge [sflag:s3], $0xC80  }
0x124: {  	s0 =	rddreg [dreg:$0x3];
	[sflag:s3] =	ssyncset.done $0x0  }
0x125: {  	s26 =	stileid.u32;
	s28 =	rddreg [dreg:$0x2]  }
.LBB2_5:
0x126: {  	[sflag:s3] =	ssyncadd.s32 @p1 $0xFFFFF380  }
0x127: {  	[spmem:s15], [sflag:s2] =	dma.local [hbm:s0], $0xC80  }
0x128: {  	_ =	swait.ge [sflag:s10], $0xC80  }
0x129: {  	[sflag:s10] =	ssyncset.done $0x0  }
0x12a: {  	s1 =	sor.u32 $0x1C03, s23;
	s25 =	rddreg [dreg:$0x4];
	[sflag:s10] =	ssyncadd.s32 $0xFFFFF380  }
0x12b: {  	[hbm:s25], [sflag:s1] =	dma.local [spmem:s15], $0xC80  }
0x12c: {  	s25 =	sshrl.u32 s24, $0x3;
	s24 =	sor.u32 $0x1C02, s23;
	s0 =	rddreg [dreg:$0x5]  }
0x12d: {  	[spmem:s25], [sflag:s24] =	dma.local [hbm:s0], $0xC80  }
0x12e: {  	_ =	swait.ge [sflag:s17], $0xC80  }
0x12f: {  	[sflag:s17] =	ssyncset.done $0x0  }
0x130: {  	s23 =	sor.u32 $0x1C04, s23;
	s29 =	rddreg [dreg:$0x6];
	[sflag:s17] =	ssyncadd.s32 $0xFFFFF380  }
0x131: {  	[hbm:s29], [sflag:s23] =	dma.local [spmem:s25], $0xC80  }
0x132: {  	_ =	swait.ge [sflag:s3], $0xC80  }
0x133: {  	[sflag:s3] =	ssyncset.done $0x0  }
0x134: {  	s30 =	rddreg [dreg:$0x7];
	[sflag:s3] =	ssyncadd.s32 $0xFFFFF380  }
0x135: {  	[spmem:s15], [sflag:s2] =	dma.local [hbm:s30], $0xC80  }
0x136: {  	_ =	swait.ge [sflag:s10], $0xC80  }
0x137: {  	[sflag:s10] =	ssyncset.done $0x0  }
0x138: {  	s31 =	rddreg [dreg:$0x8];
	[sflag:s10] =	ssyncadd.s32 $0xFFFFF380  }
0x139: {  	[hbm:s31], [sflag:s1] =	dma.local [spmem:s15], $0xC80  }
0x13a: {  	_ =	swait.ge [sflag:s11], $0xC80  }
0x13b: {  	[sflag:s11] =	ssyncset.done $0x0  }
0x13c: {  	s29 =	rddreg [dreg:$0x9];
	[sflag:s11] =	ssyncadd.s32 $0xFFFFF380  }
0x13d: {  	[spmem:s25], [sflag:s24] =	dma.local [hbm:s29], $0xC80  }
0x13e: {  	_ =	swait.ge [sflag:s17], $0xC80  }
0x13f: {  	[sflag:s17] =	ssyncset.done $0x0  }
0x140: {  	s30 =	rddreg [dreg:$0xa];
	[sflag:s17] =	ssyncadd.s32 $0xFFFFF380  }
0x141: {  	[hbm:s30], [sflag:s23] =	dma.local [spmem:s25], $0xC80  }
0x142: {  	_ =	swait.ge [sflag:s3], $0xC80  }
0x143: {  	[sflag:s3] =	ssyncset.done $0x0  }
0x144: {  	s31 =	rddreg [dreg:$0xb];
	[sflag:s3] =	ssyncadd.s32 $0xFFFFF380  }
0x145: {  	[spmem:s15], [sflag:s2] =	dma.local [hbm:s31], $0xC80  }
0x146: {  	_ =	swait.ge [sflag:s10], $0xC80  }
0x147: {  	[sflag:s10] =	ssyncset.done $0x0  }
0x148: {  	s29 =	rddreg [dreg:$0xc];
	[sflag:s10] =	ssyncadd.s32 $0xFFFFF380  }
0x149: {  	[hbm:s29], [sflag:s1] =	dma.local [spmem:s15], $0xC80  }
0x14a: {  	_ =	swait.ge [sflag:s11], $0xC80  }
0x14b: {  	[sflag:s11] =	ssyncset.done $0x0  }
0x14c: {  	s30 =	rddreg [dreg:$0xd];
	[sflag:s11] =	ssyncadd.s32 $0xFFFFF380  }
0x14d: {  	[spmem:s25], [sflag:s24] =	dma.local [hbm:s30], $0xC80  }
0x14e: {  	_ =	swait.ge [sflag:s17], $0xC80  }
0x14f: {  	[sflag:s17] =	ssyncset.done $0x0  }
0x150: {  	s31 =	rddreg [dreg:$0xe];
	[sflag:s17] =	ssyncadd.s32 $0xFFFFF380  }
0x151: {  	[hbm:s31], [sflag:s23] =	dma.local [spmem:s25], $0xC80  }
0x152: {  	_ =	swait.ge [sflag:s3], $0xC80  }
0x153: {  	[sflag:s3] =	ssyncset.done $0x0  }
0x154: {  	s29 =	rddreg [dreg:$0xf];
	[sflag:s3] =	ssyncadd.s32 $0xFFFFF380  }
0x155: {  	[spmem:s15], [sflag:s2] =	dma.local [hbm:s29], $0xC80  }
0x156: {  	_ =	swait.ge [sflag:s10], $0xC80  }
0x157: {  	[sflag:s10] =	ssyncset.done $0x0  }
0x158: {  	s30 =	rddreg [dreg:$0x10];
	[sflag:s10] =	ssyncadd.s32 $0xFFFFF380  }
0x159: {  	[hbm:s30], [sflag:s1] =	dma.local [spmem:s15], $0xC80  }
0x15a: {  	_ =	swait.ge [sflag:s11], $0xC80  }
0x15b: {  	[sflag:s11] =	ssyncset.done $0x0  }
0x15c: {  	s31 =	rddreg [dreg:$0x11];
	[sflag:s11] =	ssyncadd.s32 $0xFFFFF380  }
0x15d: {  	[spmem:s25], [sflag:s24] =	dma.local [hbm:s31], $0xC80  }
0x15e: {  	_ =	swait.ge [sflag:s17], $0xC80  }
0x15f: {  	[sflag:s17] =	ssyncset.done $0x0  }
0x160: {  	s29 =	rddreg [dreg:$0x12];
	[sflag:s17] =	ssyncadd.s32 $0xFFFFF380  }
0x161: {  	[hbm:s29], [sflag:s23] =	dma.local [spmem:s25], $0xC80  }
0x162: {  	_ =	swait.ge [sflag:s3], $0xC80  }
0x163: {  	[sflag:s3] =	ssyncset.done $0x0  }
0x164: {  	s30 =	rddreg [dreg:$0x13];
	[sflag:s3] =	ssyncadd.s32 $0xFFFFF380  }
0x165: {  	[spmem:s15], [sflag:s2] =	dma.local [hbm:s30], $0xC80  }
0x166: {  	_ =	swait.ge [sflag:s10], $0xC80  }
0x167: {  	[sflag:s10] =	ssyncset.done $0x0  }
0x168: {  	s31 =	rddreg [dreg:$0x14];
	[sflag:s10] =	ssyncadd.s32 $0xFFFFF380  }
0x169: {  	[hbm:s31], [sflag:s1] =	dma.local [spmem:s15], $0xC80  }
0x16a: {  	_ =	swait.ge [sflag:s11], $0xC80  }
0x16b: {  	[sflag:s11] =	ssyncset.done $0x0  }
0x16c: {  	[sflag:s11] =	ssyncadd.s32 $0xFFFFF380  }
0x16d: {  	[spmem:s25], [sflag:s24] =	dma.local [hbm:s22], $0xC80  }
0x16e: {  	_ =	swait.ge [sflag:s17], $0xC80  }
0x16f: {  	[sflag:s17] =	ssyncset.done $0x0  }
0x170: {  	[sflag:s17] =	ssyncadd.s32 $0xFFFFF380  }
0x171: {  	[hbm:s21], [sflag:s23] =	dma.local [spmem:s25], $0xC80  }
0x172: {  	_ =	swait.ge [sflag:s3], $0xC80  }
0x173: {  	[sflag:s3] =	ssyncset.done $0x0  }
0x174: {  	[sflag:s3] =	ssyncadd.s32 $0xFFFFF380  }
0x175: {  	[spmem:s15], [sflag:s2] =	dma.local [hbm:s20], $0xC80  }
0x176: {  	_ =	swait.ge [sflag:s10], $0xC80  }
0x177: {  	[sflag:s10] =	ssyncset.done $0x0  }
0x178: {  	[sflag:s10] =	ssyncadd.s32 $0xFFFFF380  }
0x179: {  	[hbm:s19], [sflag:s1] =	dma.local [spmem:s15], $0xC80  }
0x17a: {  	_ =	swait.ge [sflag:s11], $0xC80  }
0x17b: {  	[sflag:s11] =	ssyncset.done $0x0  }
0x17c: {  	[sflag:s11] =	ssyncadd.s32 $0xFFFFF380  }
0x17d: {  	[spmem:s25], [sflag:s24] =	dma.local [hbm:s18], $0xC80  }
0x17e: {  	_ =	swait.ge [sflag:s17], $0xC80  }
0x17f: {  	[sflag:s17] =	ssyncset.done $0x0  }
0x180: {  	[sflag:s17] =	ssyncadd.s32 $0xFFFFF380  }
0x181: {  	[hbm:s16], [sflag:s23] =	dma.local [spmem:s25], $0xC80  }
0x182: {  	_ =	swait.ge [sflag:s3], $0xC80  }
0x183: {  	[sflag:s3] =	ssyncset.done $0x0  }
0x184: {  	[sflag:s3] =	ssyncadd.s32 $0xFFFFF380  }
0x185: {  	[spmem:s15], [sflag:s2] =	dma.local [hbm:s14], $0xC80  }
0x186: {  	_ =	swait.ge [sflag:s10], $0xC80  }
0x187: {  	[sflag:s10] =	ssyncset.done $0x0  }
0x188: {  	[sflag:s10] =	ssyncadd.s32 $0xFFFFF380  }
0x189: {  	[hbm:s13], [sflag:s1] =	dma.local [spmem:s15], $0xC80  }
0x18a: {  	_ =	swait.ge [sflag:s11], $0xC80  }
0x18b: {  	[sflag:s11] =	ssyncset.done $0x0  }
0x18c: {  	[sflag:s11] =	ssyncadd.s32 $0xFFFFF380  }
0x18d: {  	[spmem:s25], [sflag:s24] =	dma.local [hbm:s12], $0xC80  }
0x18e: {  	_ =	swait.ge [sflag:s17], $0xC80  }
0x18f: {  	[sflag:s17] =	ssyncset.done $0x0  }
0x190: {  	[sflag:s17] =	ssyncadd.s32 $0xFFFFF380  }
0x191: {  	[hbm:s8], [sflag:s23] =	dma.local [spmem:s25], $0xC80  }
0x192: {  	_ =	swait.ge [sflag:s3], $0xC80  }
0x193: {  	[sflag:s3] =	ssyncset.done $0x0  }
0x194: {  	[sflag:s3] =	ssyncadd.s32 $0xFFFFF380  }
0x195: {  	[spmem:s15], [sflag:s2] =	dma.local [hbm:s7], $0xC80  }
0x196: {  	_ =	swait.ge [sflag:s10], $0xC80  }
0x197: {  	[sflag:s10] =	ssyncset.done $0x0  }
0x198: {  	[sflag:s10] =	ssyncadd.s32 $0xFFFFF380  }
0x199: {  	[hbm:s6], [sflag:s1] =	dma.local [spmem:s15], $0xC80  }
0x19a: {  	_ =	swait.ge [sflag:s11], $0xC80  }
0x19b: {  	[sflag:s11] =	ssyncset.done $0x0  }
0x19c: {  	s0 =	simm.s32 @!p0 $0x2;
	[sflag:s11] =	ssyncadd.s32 $0xFFFFF380  }
0x19d: {  	[spmem:s9], [sflag:s24] =	dma.local @!p0 [hbm:s5], $0xC80  }
0x19e: {  	_ =	swait.ge @!p0 [sflag:s0], $0xC80  }
0x19f: {  	[sflag:s0] =	ssyncset.done @!p0 $0x0  }
0x1a0: {  	[sflag:s0] =	ssyncadd.s32 @!p0 $0xFFFFF380;
	s0 =	simm.s32 @!p0 $0x4  }
0x1a1: {  	[hbm:s4], [sflag:s23] =	dma.local @!p0 [spmem:s9], $0xC80  }
0x1a2: {  	_ =	swait.ge @!p0 [sflag:s0], $0xC80  }
0x1a3: {  	[sflag:s0] =	ssyncset.done @!p0 $0x0  }
0x1a4: {  	[sflag:s0] =	ssyncadd.s32 @!p0 $0xFFFFF380  }
0x1a5: {  	_ =	swait.ge [sflag:s3], $0xC80  }
0x1a6: {  	[sflag:s3] =	ssyncset.done $0x0  }
0x1a7: {  	[sflag:s3] =	ssyncadd.s32 $0xFFFFF380  }
0x1a8: {  	_ =	sfence.sel $0x180000  }
0x1a9: {  	[bflag:$0x0] =	sbarrier.arrive $0xFFFF  }
0x1aa: {  	p0 =	sne.s32 s26, $0x0;
	_ =	strace $0x90000047  }
0x1ab: {  	s0 =	sadd.s32 @!p0 $0x100000, s28;
	[bflag:$0x2] =	sbarrier.arrive $0xFFFF  }
0x1ac: {  	[sflag:s0] =	ssyncadd.tile.s32 @!p0 $0x1;
	_ =	shalt  }
.LBB2_2:
.Ltmp3:
0x1ad: {  	(pc) =	sbr.rel .LBB2_5-.Ltmp3, $2  }
0x1ae: {  	_ =	sdelay $0x2  }
0x1af: {  	s26 =	stileid.u32;
	s28 =	rddreg [dreg:$0x2]  }
.Lfunc_end2:
_tile_overlayer_lowered:
.L_overlay_start_2:
0x1b0: {  	(tag) =	ssettag $0x2  }
0x1b1: {  	s0 =	rddreg [dreg:$0x0];
	s2 =	stileid.u32  }
0x1b2: {  	s1 =	rddreg [dreg:$0x1];
	p0 =	sne.s32 s2, $0x0  }
0x1b3: {  	s3 =	rddreg [dreg:$0x2];
	[bflag:$0x3] =	sbarrier.arrive $0xFFFF;
	s2 =	simm.s32 @!p0 $0x1C05  }
0x1b4: {  	[timem:s3], [sflag:s2] =	dma.local @!p0 [hbm:s0], s1  }
0x1b5: {  	s0 =	simm.s32 @!p0 $0x5  }
0x1b6: {  	_ =	swait.ge @!p0 [sflag:s0], s1  }
0x1b7: {  	s1 =	ssub.s32 @!p0 $0x0, s1;
	[sflag:s0] =	ssyncset.done @!p0 $0x0  }
0x1b8: {  	[sflag:s0] =	ssyncadd.s32 @!p0 s1  }
0x1b9: {  	[bflag:$0x3] =	sbarrier.arrive $0xFFFF  }
0x1ba: {  	_ =	shalt  }

</sc_bundles>
